<compile_context>
chip_gen: v7x
topology: tpu7x:2x2x1
jax: 0.10.2.dev20260603
libtpu: 0.0.44.dev20260713+nightly
codegen_flags: <defaults>
</compile_context>

<pallas_src>
import functools

import jax
import jax.numpy as jnp
from jax import lax
from jax.experimental import pallas as pl
from jax.experimental.pallas import tpu as pltpu
from jax.experimental.pallas import tpu_sc as plsc

N = 10000
E = 320000
D = 128
ACT = 16
NC = 2
NS = 16
NW = NC * NS
CHUNK = 128
CPW = 80
E_PAD = NW * CPW * CHUNK
ROWS = 10240
RPW = ROWS // NS
DUMMY = N
ROW_BLK = 2000

_HIGH = jax.lax.Precision.HIGHEST

_mesh = plsc.VectorSubcoreMesh(core_axis_name="c", subcore_axis_name="s")

_Z16 = functools.partial(jnp.zeros, (16,), jnp.float32)


@functools.partial(
    pl.kernel,
    out_type=jax.ShapeDtypeStruct((NC, ROWS), jnp.float32),
    mesh=_mesh,
    scratch_types=[
        pltpu.VMEM((CPW, CHUNK), jnp.int32),
        pltpu.VMEM((CHUNK,), jnp.float32),
        pltpu.VMEM((RPW,), jnp.float32),
        pltpu.VMEM_SHARED((ROWS,), jnp.float32),
        pltpu.SemaphoreType.DMA,
    ],
)
def _deg_kernel(pk_hbm, deg_hbm, idx_v, ones_v, zer_v, acc, sem):
    cid = lax.axis_index("c")
    sid = lax.axis_index("s")
    wid = cid * NS + sid

    for i in range(CHUNK // 16):
        ones_v[pl.ds(i * 16, 16)] = jnp.ones((16,), jnp.float32)

    def _z(i, _):
        zer_v[pl.ds(i * 16, 16)] = _Z16()
        return 0
    lax.fori_loop(0, RPW // 16, _z, 0)

    pltpu.sync_copy(zer_v, acc.at[pl.ds(sid * RPW, RPW)])
    pltpu.sync_copy(pk_hbm.at[pl.ds(wid * CPW, CPW)], idx_v)

    def _unpack(i, _):
        r = i // (CHUNK // 16)
        c = (i % (CHUNK // 16)) * 16
        v = idx_v[r, pl.ds(c, 16)]
        idx_v[r, pl.ds(c, 16)] = lax.bitwise_and(v, 32767)
        return 0
    lax.fori_loop(0, CPW * (CHUNK // 16), _unpack, 0)
    plsc.subcore_barrier()

    _K = 8

    def _scat(g, _):
        for b in range(_K):
            pltpu.async_copy(ones_v, acc.at[idx_v.at[g * _K + b]], sem, add=True)
        for b in range(_K):
            pltpu.make_async_copy(ones_v, acc.at[idx_v.at[g * _K + b]], sem).wait()
        return 0
    lax.fori_loop(0, CPW // _K, _scat, 0)

    plsc.subcore_barrier()
    pltpu.sync_copy(acc.at[pl.ds(sid * RPW, RPW)],
                    deg_hbm.at[cid, pl.ds(sid * RPW, RPW)])


def _xw_body(state_ref, w_ref, xw_ref):
    xw_ref[...] = lax.dot_general(
        state_ref[...], w_ref[...], (((1,), (0,)), ((), ())),
        preferred_element_type=jnp.float32, precision=_HIGH)


def _scale_body(xw_ref, deg_ref, y_ref, dinv_ref):
    deg = deg_ref[0, :N] + deg_ref[1, :N] + 1.0
    dinv = lax.rsqrt(deg)
    y_ref[...] = xw_ref[...] * dinv[:, None]
    dinv_ref[...] = dinv[:, None]


@functools.partial(
    pl.kernel,
    out_type=jax.ShapeDtypeStruct((NC, ROWS, D), jnp.float32),
    mesh=_mesh,
    scratch_types=[
        pltpu.VMEM((CPW, CHUNK), jnp.int32),
        pltpu.VMEM((2, CHUNK), jnp.int32),
        pltpu.VMEM((2, CHUNK), jnp.int32),
        pltpu.VMEM((2, CHUNK, D), jnp.float32),
        pltpu.VMEM_SHARED((ROWS, D), jnp.float32),
        pltpu.SemaphoreType.DMA,
        pltpu.SemaphoreType.DMA,
    ],
)
def _agg_kernel(pk_hbm, y_hbm, out_hbm, pk_v, src_c, dst_c, buf, acc,
                sem0, sem1):
    cid = lax.axis_index("c")
    sid = lax.axis_index("s")
    wid = cid * NS + sid

    @pl.when(cid == 0)
    def _():
        @pl.when(sid < NS - 1)
        def _():
            pltpu.sync_copy(y_hbm.at[pl.ds(sid * 624, 624)],
                            acc.at[pl.ds(sid * 624, 624)])

        @pl.when(sid == NS - 1)
        def _():
            pltpu.sync_copy(y_hbm.at[pl.ds((NS - 1) * 624, N - (NS - 1) * 624)],
                            acc.at[pl.ds((NS - 1) * 624, N - (NS - 1) * 624)])

    @pl.when(cid == 1)
    def _():
        def _z(i, _):
            for c in range(D // 16):
                buf[0, i, pl.ds(c * 16, 16)] = _Z16()
            return 0
        lax.fori_loop(0, CHUNK, _z, 0)
        for k in range(RPW // CHUNK):
            pltpu.sync_copy(buf.at[0],
                            acc.at[pl.ds(sid * RPW + k * CHUNK, CHUNK)])

    pltpu.sync_copy(pk_hbm.at[pl.ds(wid * CPW, CPW)], pk_v)
    plsc.subcore_barrier()

    def _unpack(j, b):
        for c in range(CHUNK // 16):
            v = pk_v[j, pl.ds(c * 16, 16)]
            src_c[b, pl.ds(c * 16, 16)] = lax.shift_right_logical(v, 15)
            dst_c[b, pl.ds(c * 16, 16)] = lax.bitwise_and(v, 32767)

    _unpack(0, 0)
    pltpu.async_copy(y_hbm.at[src_c.at[0]], buf.at[0], sem0)

    def _pair(jp, _):
        j0 = 2 * jp
        _unpack(j0 + 1, 1)
        pltpu.async_copy(y_hbm.at[src_c.at[1]], buf.at[1], sem1)
        pltpu.make_async_copy(y_hbm.at[src_c.at[0]], buf.at[0], sem0).wait()
        pltpu.sync_copy(buf.at[0], acc.at[dst_c.at[0]], add=True)

        @pl.when(jp < CPW // 2 - 1)
        def _():
            _unpack(j0 + 2, 0)
            pltpu.async_copy(y_hbm.at[src_c.at[0]], buf.at[0], sem0)

        pltpu.make_async_copy(y_hbm.at[src_c.at[1]], buf.at[1], sem1).wait()
        pltpu.sync_copy(buf.at[1], acc.at[dst_c.at[1]], add=True)
        return 0
    lax.fori_loop(0, CPW // 2, _pair, 0)

    plsc.subcore_barrier()
    pltpu.sync_copy(acc.at[pl.ds(sid * RPW, RPW)],
                    out_hbm.at[cid, pl.ds(sid * RPW, RPW)])


def _head_body(p_ref, dinv_ref, state_ref, b1_ref,
               wl1_ref, bl1_ref, wl2_ref, bl2_ref, wl3_ref, bl3_ref, out_ref):
    agg = p_ref[0, :N, :] + p_ref[1, :N, :]
    x = jax.nn.relu(agg * dinv_ref[...] + b1_ref[...][None, :]) + state_ref[...]
    g = x.reshape(N // ACT, ACT, D).sum(axis=1)
    h = jax.nn.relu(
        lax.dot_general(g, wl1_ref[...], (((1,), (0,)), ((), ())),
                        preferred_element_type=jnp.float32, precision=_HIGH)
        + bl1_ref[...])
    h = jax.nn.relu(
        lax.dot_general(h, wl2_ref[...], (((1,), (0,)), ((), ())),
                        preferred_element_type=jnp.float32, precision=_HIGH)
        + bl2_ref[...])
    o = lax.dot_general(h, wl3_ref[...], (((1,), (0,)), ((), ())),
                        preferred_element_type=jnp.float32, precision=_HIGH)
    out_ref[...] = o[:, 0] + bl3_ref[...]


def kernel(state, edge_index, W1, b1, Wl1, bl1, Wl2, bl2, Wl3, bl3):
    src, dst = edge_index[0], edge_index[1]
    pad = E_PAD - E
    code = src * 32768 + dst
    pk = jnp.concatenate([code, jnp.full((pad,), DUMMY, jnp.int32)])
    pk = pk.reshape(E_PAD // CHUNK, CHUNK)

    deg = _deg_kernel(pk)
    xw = pl.pallas_call(
        _xw_body,
        grid=(N // ROW_BLK,),
        in_specs=[
            pl.BlockSpec((ROW_BLK, D), lambda i: (i, 0)),
            pl.BlockSpec((D, D), lambda i: (0, 0)),
        ],
        out_specs=pl.BlockSpec((ROW_BLK, D), lambda i: (i, 0)),
        out_shape=jax.ShapeDtypeStruct((N, D), jnp.float32),
    )(state, W1)
    y, dinv = pl.pallas_call(
        _scale_body,
        out_shape=[jax.ShapeDtypeStruct((N, D), jnp.float32),
                   jax.ShapeDtypeStruct((N, 1), jnp.float32)],
    )(xw, deg)
    p = _agg_kernel(pk, y)
    out = pl.pallas_call(
        _head_body,
        out_shape=jax.ShapeDtypeStruct((N // ACT,), jnp.float32),
    )(p, dinv, state, b1, Wl1, bl1, Wl2, bl2, Wl3, bl3)
    return out

# --- scband reference (transcript-rebuilt; emitter-appended) ---
"""Pipeline reference for scband-vf-1752346657348 (READ-ONLY COPY).

The authoritative reference and input builder live on the scoring server;
editing this copy changes nothing except your own understanding.
"""

import jax, jax.numpy as jnp
import numpy as np

N = 10000
E = 320000
D = 128
ACT = 16


def _glorot(key, shape):
    fan_in = shape[0]
    return (jax.random.normal(key, shape, dtype=jnp.float32) / np.sqrt(fan_in)).astype(jnp.float32)


def setup_inputs(seed: int = 0) -> dict:
    key = jax.random.key(seed)
    ks = jax.random.split(key, 12)
    state = jax.random.normal(ks[0], (N, D), dtype=jnp.float32)
    edge_index = jax.random.randint(ks[1], (2, E), 0, N, dtype=jnp.int32)
    W1 = _glorot(ks[2], (D, D))            # GCNConv weight
    b1 = jnp.zeros((D,), dtype=jnp.float32)
    Wl1 = _glorot(ks[3], (D, 64))
    bl1 = jnp.zeros((64,), dtype=jnp.float32)
    Wl2 = _glorot(ks[4], (64, 64))
    bl2 = jnp.zeros((64,), dtype=jnp.float32)
    Wl3 = _glorot(ks[5], (64, 1))
    bl3 = jnp.zeros((1,), dtype=jnp.float32)
    return {"state": state, "edge_index": edge_index, "W1": W1, "b1": b1,
            "Wl1": Wl1, "bl1": bl1, "Wl2": Wl2, "bl2": bl2, "Wl3": Wl3, "bl3": bl3}


def _gcn_conv(x, edge_index, W, b):
    # torch_geometric GCNConv: add self-loops, sym-normalize, aggregate at dst.
    n = x.shape[0]
    loop = jnp.arange(n, dtype=edge_index.dtype)
    src = jnp.concatenate([edge_index[0], loop])
    dst = jnp.concatenate([edge_index[1], loop])
    deg = jnp.zeros((n,), dtype=jnp.float32).at[dst].add(1.0)
    deg_inv_sqrt = jnp.where(deg > 0, 1.0 / jnp.sqrt(deg), 0.0)
    norm = deg_inv_sqrt[src] * deg_inv_sqrt[dst]
    xw = x @ W
    msg = xw[src] * norm[:, None]
    out = jnp.zeros_like(xw).at[dst].add(msg)
    return out + b


def reference(state, edge_index, W1, b1, Wl1, bl1, Wl2, bl2, Wl3, bl3):
    out = jax.nn.relu(_gcn_conv(state, edge_index, W1, b1))
    x = out + state
    x = x.reshape(-1, ACT, D)
    x = jnp.sum(x, axis=1)
    x = jax.nn.relu(x @ Wl1 + bl1)
    x = jax.nn.relu(x @ Wl2 + bl2)
    x = (x @ Wl3 + bl3)[:, 0]
    return x

if __name__ == "__main__":
    import jax
    _d = setup_inputs()
    print(jax.jit(kernel)(*tuple(_d.values())))

</pallas_src>

<mosaic_0001>
#map = affine_map<(d0, d1) -> (0, 0)>
module attributes {stable_mosaic.version = 14 : i64} {
  func.func @_deg_kernel(%arg0: i32, %arg1: i32, %arg2: memref<2560x128xi32, #tpu.memory_space<hbm>>, %arg3: memref<2x10240xf32, #tpu.memory_space<hbm>>, %arg4: memref<80x128xi32, #tpu.memory_space<vmem>>, %arg5: memref<128xf32, #tpu.memory_space<vmem>>, %arg6: memref<640xf32, #tpu.memory_space<vmem>>, %arg7: memref<10240xf32, #tpu.memory_space<vmem_shared>>, %arg8: memref<!tpu.dma_semaphore, #tpu.memory_space<semaphore_mem>>) attributes {dimension_semantics = [#tpu.dimension_semantics<core_parallel>, #tpu.dimension_semantics<subcore_parallel>], iteration_bounds = array<i64: 2, 16>, scalar_prefetch = 0 : i64, scratch_operands = 5 : i64, tpu.core_type = #tpu.core_type<sc_vector_subcore>, window_params = [{transform_indices = #map}, {transform_indices = #map}]} {
    %mul3A = arith.constant 16 : i32
    %mul3A_0 = arith.muli %arg0, %mul3A : i32
    %add3A = arith.addi %mul3A_0, %arg1 : i32
    %broadcast_in_dim3A = arith.constant 1.000000e+00 : f32
    %broadcast_in_dim3A_1 = vector.broadcast %broadcast_in_dim3A : f32 to vector<16xf32>
    %swap3A = arith.constant 0 : index
    %swap3A_2 = tpu.vector_load %arg5[%swap3A] {strides = array<i32>} : memref<128xf32, #tpu.memory_space<vmem>>, vector<16xf32>,
    %swap3A_3 = vector.shape_cast %swap3A_2 : vector<16xf32> to vector<16xf32>
    %swap3A_4 = vector.shape_cast %broadcast_in_dim3A_1 : vector<16xf32> to vector<16xf32>
    tpu.vector_store %arg5[%swap3A], %swap3A_4 {strides = array<i32>} : memref<128xf32, #tpu.memory_space<vmem>>, vector<16xf32>,
    %broadcast_in_dim3A_5 = arith.constant 1.000000e+00 : f32
    %broadcast_in_dim3A_6 = vector.broadcast %broadcast_in_dim3A_5 : f32 to vector<16xf32>
    %swap3A_7 = arith.constant 16 : index
    %swap3A_8 = tpu.vector_load %arg5[%swap3A_7] {strides = array<i32>} : memref<128xf32, #tpu.memory_space<vmem>>, vector<16xf32>,
    %swap3A_9 = vector.shape_cast %swap3A_8 : vector<16xf32> to vector<16xf32>
    %swap3A_10 = vector.shape_cast %broadcast_in_dim3A_6 : vector<16xf32> to vector<16xf32>
    tpu.vector_store %arg5[%swap3A_7], %swap3A_10 {strides = array<i32>} : memref<128xf32, #tpu.memory_space<vmem>>, vector<16xf32>,
    %broadcast_in_dim3A_11 = arith.constant 1.000000e+00 : f32
    %broadcast_in_dim3A_12 = vector.broadcast %broadcast_in_dim3A_11 : f32 to vector<16xf32>
    %swap3A_13 = arith.constant 32 : index
    %swap3A_14 = tpu.vector_load %arg5[%swap3A_13] {strides = array<i32>} : memref<128xf32, #tpu.memory_space<vmem>>, vector<16xf32>,
    %swap3A_15 = vector.shape_cast %swap3A_14 : vector<16xf32> to vector<16xf32>
    %swap3A_16 = vector.shape_cast %broadcast_in_dim3A_12 : vector<16xf32> to vector<16xf32>
    tpu.vector_store %arg5[%swap3A_13], %swap3A_16 {strides = array<i32>} : memref<128xf32, #tpu.memory_space<vmem>>, vector<16xf32>,
    %broadcast_in_dim3A_17 = arith.constant 1.000000e+00 : f32
    %broadcast_in_dim3A_18 = vector.broadcast %broadcast_in_dim3A_17 : f32 to vector<16xf32>
    %swap3A_19 = arith.constant 48 : index
    %swap3A_20 = tpu.vector_load %arg5[%swap3A_19] {strides = array<i32>} : memref<128xf32, #tpu.memory_space<vmem>>, vector<16xf32>,
    %swap3A_21 = vector.shape_cast %swap3A_20 : vector<16xf32> to vector<16xf32>
    %swap3A_22 = vector.shape_cast %broadcast_in_dim3A_18 : vector<16xf32> to vector<16xf32>
    tpu.vector_store %arg5[%swap3A_19], %swap3A_22 {strides = array<i32>} : memref<128xf32, #tpu.memory_space<vmem>>, vector<16xf32>,
    %broadcast_in_dim3A_23 = arith.constant 1.000000e+00 : f32
    %broadcast_in_dim3A_24 = vector.broadcast %broadcast_in_dim3A_23 : f32 to vector<16xf32>
    %swap3A_25 = arith.constant 64 : index
    %swap3A_26 = tpu.vector_load %arg5[%swap3A_25] {strides = array<i32>} : memref<128xf32, #tpu.memory_space<vmem>>, vector<16xf32>,
    %swap3A_27 = vector.shape_cast %swap3A_26 : vector<16xf32> to vector<16xf32>
    %swap3A_28 = vector.shape_cast %broadcast_in_dim3A_24 : vector<16xf32> to vector<16xf32>
    tpu.vector_store %arg5[%swap3A_25], %swap3A_28 {strides = array<i32>} : memref<128xf32, #tpu.memory_space<vmem>>, vector<16xf32>,
    %broadcast_in_dim3A_29 = arith.constant 1.000000e+00 : f32
    %broadcast_in_dim3A_30 = vector.broadcast %broadcast_in_dim3A_29 : f32 to vector<16xf32>
    %swap3A_31 = arith.constant 80 : index
    %swap3A_32 = tpu.vector_load %arg5[%swap3A_31] {strides = array<i32>} : memref<128xf32, #tpu.memory_space<vmem>>, vector<16xf32>,
    %swap3A_33 = vector.shape_cast %swap3A_32 : vector<16xf32> to vector<16xf32>
    %swap3A_34 = vector.shape_cast %broadcast_in_dim3A_30 : vector<16xf32> to vector<16xf32>
    tpu.vector_store %arg5[%swap3A_31], %swap3A_34 {strides = array<i32>} : memref<128xf32, #tpu.memory_space<vmem>>, vector<16xf32>,
    %broadcast_in_dim3A_35 = arith.constant 1.000000e+00 : f32
    %broadcast_in_dim3A_36 = vector.broadcast %broadcast_in_dim3A_35 : f32 to vector<16xf32>
    %swap3A_37 = arith.constant 96 : index
    %swap3A_38 = tpu.vector_load %arg5[%swap3A_37] {strides = array<i32>} : memref<128xf32, #tpu.memory_space<vmem>>, vector<16xf32>,
    %swap3A_39 = vector.shape_cast %swap3A_38 : vector<16xf32> to vector<16xf32>
    %swap3A_40 = vector.shape_cast %broadcast_in_dim3A_36 : vector<16xf32> to vector<16xf32>
    tpu.vector_store %arg5[%swap3A_37], %swap3A_40 {strides = array<i32>} : memref<128xf32, #tpu.memory_space<vmem>>, vector<16xf32>,
    %broadcast_in_dim3A_41 = arith.constant 1.000000e+00 : f32
    %broadcast_in_dim3A_42 = vector.broadcast %broadcast_in_dim3A_41 : f32 to vector<16xf32>
    %swap3A_43 = arith.constant 112 : index
    %swap3A_44 = tpu.vector_load %arg5[%swap3A_43] {strides = array<i32>} : memref<128xf32, #tpu.memory_space<vmem>>, vector<16xf32>,
    %swap3A_45 = vector.shape_cast %swap3A_44 : vector<16xf32> to vector<16xf32>
    %swap3A_46 = vector.shape_cast %broadcast_in_dim3A_42 : vector<16xf32> to vector<16xf32>
    tpu.vector_store %arg5[%swap3A_43], %swap3A_46 {strides = array<i32>} : memref<128xf32, #tpu.memory_space<vmem>>, vector<16xf32>,
    %scan3A = arith.constant 0 : i32
    %scan3A_47 = arith.constant 0 : i32
    %scan3A_48 = arith.constant 40 : i32
    %scan3A_49 = arith.addi %scan3A_47, %scan3A_48 : i32
    %scan3A_50 = arith.constant 1 : i32
    %scan3A_51 = scf.for %scan3A_76 = %scan3A_47 to %scan3A_49 step %scan3A_50 iter_args(%scan3A_77 = %scan3A) -> (i32)  : i32 {
      %broadcast_in_dim3A_78 = arith.constant 0.000000e+00 : f32
      %broadcast_in_dim3A_79 = vector.broadcast %broadcast_in_dim3A_78 : f32 to vector<16xf32>
      %mul3A_80 = arith.constant 16 : i32
      %mul3A_81 = arith.muli %scan3A_76, %mul3A_80 : i32
      %swap3A_82 = arith.index_cast %mul3A_81 : i32 to index
      %swap3A_83 = tpu.vector_load %arg6[%swap3A_82] {strides = array<i32>} : memref<640xf32, #tpu.memory_space<vmem>>, vector<16xf32>,
      %swap3A_84 = vector.shape_cast %swap3A_83 : vector<16xf32> to vector<16xf32>
      %swap3A_85 = vector.shape_cast %broadcast_in_dim3A_79 : vector<16xf32> to vector<16xf32>
      tpu.vector_store %arg6[%swap3A_82], %swap3A_85 {strides = array<i32>} : memref<640xf32, #tpu.memory_space<vmem>>, vector<16xf32>,
      %scan3A_86 = arith.constant 0 : i32
      scf.yield %scan3A_86 : i32
    }
    %scan3A_52 = arith.constant 40 : i32
    %mul3A_53 = arith.constant 640 : i32
    %mul3A_54 = arith.muli %arg1, %mul3A_53 : i32
    "tpu.region"() ({
      %run_scoped3A = tpu.sem_alloc : memref<!tpu.dma_semaphore, #tpu.memory_space<semaphore_mem>>
      %dma_start3A = tpu.memref_slice %arg7[%mul3A_54] : memref<10240xf32, #tpu.memory_space<vmem_shared>> -> memref<640xf32, #tpu.memory_space<vmem_shared>>
      %dma_start3A_76 = tpu.memref_slice %arg7[%mul3A_54] : memref<10240xf32, #tpu.memory_space<vmem_shared>> -> memref<640xf32, #tpu.memory_space<vmem_shared>>
      tpu.enqueue_dma source(%arg6 : memref<640xf32, #tpu.memory_space<vmem>>) target(%dma_start3A_76 : memref<640xf32, #tpu.memory_space<vmem_shared>>) target_semaphore(%run_scoped3A : memref<!tpu.dma_semaphore, #tpu.memory_space<semaphore_mem>>)
      %dma_wait3A = tpu.memref_slice %arg7[%mul3A_54] : memref<10240xf32, #tpu.memory_space<vmem_shared>> -> memref<640xf32, #tpu.memory_space<vmem_shared>>
      %dma_wait3A_77 = tpu.memref_slice %arg7[%mul3A_54] : memref<10240xf32, #tpu.memory_space<vmem_shared>> -> memref<640xf32, #tpu.memory_space<vmem_shared>>
      tpu.wait_dma2 semaphore(%run_scoped3A : memref<!tpu.dma_semaphore, #tpu.memory_space<semaphore_mem>>) src(%arg6 : memref<640xf32, #tpu.memory_space<vmem>>) dst(%dma_wait3A_77 : memref<640xf32, #tpu.memory_space<vmem_shared>>)
      tpu.yield
    }) : () -> ()
    %mul3A_55 = arith.constant 80 : i32
    %mul3A_56 = arith.muli %add3A, %mul3A_55 : i32
    "tpu.region"() ({
      %run_scoped3A = tpu.sem_alloc : memref<!tpu.dma_semaphore, #tpu.memory_space<semaphore_mem>>
      %dma_start3A = arith.constant 0 : i32
      %dma_start3A_76 = tpu.memref_slice %arg2[%mul3A_56, %dma_start3A] : memref<2560x128xi32, #tpu.memory_space<hbm>> -> memref<80x128xi32, #tpu.memory_space<hbm>>
      %dma_start3A_77 = arith.constant 0 : i32
      %dma_start3A_78 = tpu.memref_slice %arg2[%mul3A_56, %dma_start3A_77] : memref<2560x128xi32, #tpu.memory_space<hbm>> -> memref<80x128xi32, #tpu.memory_space<hbm>>
      tpu.enqueue_dma source(%dma_start3A_78 : memref<80x128xi32, #tpu.memory_space<hbm>>) target(%arg4 : memref<80x128xi32, #tpu.memory_space<vmem>>) target_semaphore(%run_scoped3A : memref<!tpu.dma_semaphore, #tpu.memory_space<semaphore_mem>>)
      %dma_wait3A = arith.constant 0 : i32
      %dma_wait3A_79 = tpu.memref_slice %arg2[%mul3A_56, %dma_wait3A] : memref<2560x128xi32, #tpu.memory_space<hbm>> -> memref<80x128xi32, #tpu.memory_space<hbm>>
      %dma_wait3A_80 = arith.constant 0 : i32
      %dma_wait3A_81 = tpu.memref_slice %arg2[%mul3A_56, %dma_wait3A_80] : memref<2560x128xi32, #tpu.memory_space<hbm>> -> memref<80x128xi32, #tpu.memory_space<hbm>>
      tpu.wait_dma2 semaphore(%run_scoped3A : memref<!tpu.dma_semaphore, #tpu.memory_space<semaphore_mem>>) src(%dma_wait3A_81 : memref<80x128xi32, #tpu.memory_space<hbm>>) dst(%arg4 : memref<80x128xi32, #tpu.memory_space<vmem>>)
      tpu.yield
    }) : () -> ()
    %scan3A_57 = arith.constant 0 : i32
    %scan3A_58 = arith.constant 0 : i32
    %scan3A_59 = arith.constant 640 : i32
    %scan3A_60 = arith.addi %scan3A_58, %scan3A_59 : i32
    %scan3A_61 = arith.constant 1 : i32
    %scan3A_62 = scf.for %scan3A_76 = %scan3A_58 to %scan3A_60 step %scan3A_61 iter_args(%scan3A_77 = %scan3A_57) -> (i32)  : i32 {
      %jit3A = arith.constant 8 : i32
      %div3A = arith.divsi %scan3A_76, %jit3A : i32
      %sign3A = arith.constant 0 : i32
      %sign3A_78 = arith.cmpi sgt, %scan3A_76, %sign3A : i32
      %sign3A_79 = arith.extui %sign3A_78 : i1 to i32
      %sign3A_80 = arith.constant 0 : i32
      %sign3A_81 = arith.cmpi slt, %scan3A_76, %sign3A_80 : i32
      %sign3A_82 = arith.extui %sign3A_81 : i1 to i32
      %sign3A_83 = arith.subi %sign3A_79, %sign3A_82 : i32
      %sign3A_84 = arith.constant 0 : i32
      %sign3A_85 = arith.cmpi sgt, %jit3A, %sign3A_84 : i32
      %sign3A_86 = arith.extui %sign3A_85 : i1 to i32
      %sign3A_87 = arith.constant 0 : i32
      %sign3A_88 = arith.cmpi slt, %jit3A, %sign3A_87 : i32
      %sign3A_89 = arith.extui %sign3A_88 : i1 to i32
      %sign3A_90 = arith.subi %sign3A_86, %sign3A_89 : i32
      %ne3A = arith.cmpi ne, %sign3A_83, %sign3A_90 : i32
      %rem3A = arith.remsi %scan3A_76, %jit3A : i32
      %ne3A_91 = arith.constant 0 : i32
      %ne3A_92 = arith.cmpi ne, %rem3A, %ne3A_91 : i32
      %and3A = arith.andi %ne3A, %ne3A_92 : i1
      %sub3A = arith.constant 1 : i32
      %sub3A_93 = arith.subi %div3A, %sub3A : i32
      %select_n3A = arith.select %and3A, %sub3A_93, %div3A : i32
      %jit3A_94 = arith.constant 8 : i32
      %eq3A = arith.constant 0 : i32
      %eq3A_95 = arith.cmpi eq, %jit3A_94, %eq3A : i32
      %jit3A_96 = arith.constant 1 : i32
      %select_n3A_97 = arith.select %eq3A_95, %jit3A_96, %jit3A_94 : i32
      %rem3A_98 = arith.remsi %scan3A_76, %select_n3A_97 : i32
      %ne3A_99 = arith.constant 0 : i32
      %ne3A_100 = arith.cmpi ne, %rem3A_98, %ne3A_99 : i32
      %lt3A = arith.constant 0 : i32
      %lt3A_101 = arith.cmpi slt, %rem3A_98, %lt3A : i32
      %lt3A_102 = arith.constant 0 : i32
      %lt3A_103 = arith.cmpi slt, %select_n3A_97, %lt3A_102 : i32
      %ne3A_104 = arith.xori %lt3A_101, %lt3A_103 : i1
      %and3A_105 = arith.andi %ne3A_104, %ne3A_100 : i1
      %add3A_106 = arith.addi %rem3A_98, %select_n3A_97 : i32
      %select_n3A_107 = arith.select %and3A_105, %add3A_106, %rem3A_98 : i32
      %mul3A_108 = arith.constant 16 : i32
      %mul3A_109 = arith.muli %select_n3A_107, %mul3A_108 : i32
      %get3A = arith.index_cast %select_n3A : i32 to index
      %get3A_110 = arith.index_cast %mul3A_109 : i32 to index
      %get3A_111 = tpu.vector_load %arg4[%get3A, %get3A_110] {strides = array<i32>} : memref<80x128xi32, #tpu.memory_space<vmem>>, vector<1x16xi32>,
      %get3A_112 = vector.shape_cast %get3A_111 : vector<1x16xi32> to vector<16xi32>
      %and3A_113 = arith.constant 32767 : i32
      %and3A_114 = vector.broadcast %and3A_113 : i32 to vector<16xi32>
      %and3A_115 = arith.andi %get3A_112, %and3A_114 : vector<16xi32>
      %swap3A_116 = arith.index_cast %select_n3A : i32 to index
      %swap3A_117 = arith.index_cast %mul3A_109 : i32 to index
      %swap3A_118 = tpu.vector_load %arg4[%swap3A_116, %swap3A_117] {strides = array<i32>} : memref<80x128xi32, #tpu.memory_space<vmem>>, vector<1x16xi32>,
      %swap3A_119 = vector.shape_cast %swap3A_118 : vector<1x16xi32> to vector<16xi32>
      %swap3A_120 = vector.shape_cast %and3A_115 : vector<16xi32> to vector<1x16xi32>
      tpu.vector_store %arg4[%swap3A_116, %swap3A_117], %swap3A_120 {strides = array<i32>} : memref<80x128xi32, #tpu.memory_space<vmem>>, vector<1x16xi32>,
      %scan3A_121 = arith.constant 0 : i32
      scf.yield %scan3A_121 : i32
    }
    %scan3A_63 = arith.constant 640 : i32
    %barrier3A = arith.constant 0 : index
    tpu.barrier barrier_id(%barrier3A)
    %scan3A_64 = arith.constant 0 : i32
    %scan3A_65 = arith.constant 0 : i32
    %scan3A_66 = arith.constant 10 : i32
    %scan3A_67 = arith.addi %scan3A_65, %scan3A_66 : i32
    %scan3A_68 = arith.constant 1 : i32
    %scan3A_69 = scf.for %scan3A_76 = %scan3A_65 to %scan3A_67 step %scan3A_68 iter_args(%scan3A_77 = %scan3A_64) -> (i32)  : i32 {
      %mul3A_78 = arith.constant 8 : i32
      %mul3A_79 = arith.muli %scan3A_76, %mul3A_78 : i32
      %add3A_80 = arith.constant 0 : i32
      %add3A_81 = arith.addi %mul3A_79, %add3A_80 : i32
      %dma_start3A = arith.constant 0 : i32
      %dma_start3A_82 = tpu.memref_slice %arg4[%add3A_81, %dma_start3A] : memref<80x128xi32, #tpu.memory_space<vmem>> -> memref<1x128xi32, #tpu.memory_space<vmem>>
      %dma_start3A_83 = tpu.memref_squeeze %dma_start3A_82 : memref<1x128xi32, #tpu.memory_space<vmem>> -> memref<128xi32, #tpu.memory_space<vmem>>
      %dma_start3A_84 = arith.constant 0 : i32
      %dma_start3A_85 = tpu.memref_slice %arg7[%dma_start3A_84] : memref<10240xf32, #tpu.memory_space<vmem_shared>> -> memref<10240xf32, #tpu.memory_space<vmem_shared>>
      tpu.enqueue_indirect_dma source(%arg5 : memref<128xf32, #tpu.memory_space<vmem>>) target(%dma_start3A_85 : memref<10240xf32, #tpu.memory_space<vmem_shared>>) offsets(%dma_start3A_83 : memref<128xi32, #tpu.memory_space<vmem>>) semaphore(%arg8 : memref<!tpu.dma_semaphore, #tpu.memory_space<semaphore_mem>>) {add = true}
      %mul3A_86 = arith.constant 8 : i32
      %mul3A_87 = arith.muli %scan3A_76, %mul3A_86 : i32
      %add3A_88 = arith.constant 1 : i32
      %add3A_89 = arith.addi %mul3A_87, %add3A_88 : i32
      %dma_start3A_90 = arith.constant 0 : i32
      %dma_start3A_91 = tpu.memref_slice %arg4[%add3A_89, %dma_start3A_90] : memref<80x128xi32, #tpu.memory_space<vmem>> -> memref<1x128xi32, #tpu.memory_space<vmem>>
      %dma_start3A_92 = tpu.memref_squeeze %dma_start3A_91 : memref<1x128xi32, #tpu.memory_space<vmem>> -> memref<128xi32, #tpu.memory_space<vmem>>
      %dma_start3A_93 = arith.constant 0 : i32
      %dma_start3A_94 = tpu.memref_slice %arg7[%dma_start3A_93] : memref<10240xf32, #tpu.memory_space<vmem_shared>> -> memref<10240xf32, #tpu.memory_space<vmem_shared>>
      tpu.enqueue_indirect_dma source(%arg5 : memref<128xf32, #tpu.memory_space<vmem>>) target(%dma_start3A_94 : memref<10240xf32, #tpu.memory_space<vmem_shared>>) offsets(%dma_start3A_92 : memref<128xi32, #tpu.memory_space<vmem>>) semaphore(%arg8 : memref<!tpu.dma_semaphore, #tpu.memory_space<semaphore_mem>>) {add = true}
      %mul3A_95 = arith.constant 8 : i32
      %mul3A_96 = arith.muli %scan3A_76, %mul3A_95 : i32
      %add3A_97 = arith.constant 2 : i32
      %add3A_98 = arith.addi %mul3A_96, %add3A_97 : i32
      %dma_start3A_99 = arith.constant 0 : i32
      %dma_start3A_100 = tpu.memref_slice %arg4[%add3A_98, %dma_start3A_99] : memref<80x128xi32, #tpu.memory_space<vmem>> -> memref<1x128xi32, #tpu.memory_space<vmem>>
      %dma_start3A_101 = tpu.memref_squeeze %dma_start3A_100 : memref<1x128xi32, #tpu.memory_space<vmem>> -> memref<128xi32, #tpu.memory_space<vmem>>
      %dma_start3A_102 = arith.constant 0 : i32
      %dma_start3A_103 = tpu.memref_slice %arg7[%dma_start3A_102] : memref<10240xf32, #tpu.memory_space<vmem_shared>> -> memref<10240xf32, #tpu.memory_space<vmem_shared>>
      tpu.enqueue_indirect_dma source(%arg5 : memref<128xf32, #tpu.memory_space<vmem>>) target(%dma_start3A_103 : memref<10240xf32, #tpu.memory_space<vmem_shared>>) offsets(%dma_start3A_101 : memref<128xi32, #tpu.memory_space<vmem>>) semaphore(%arg8 : memref<!tpu.dma_semaphore, #tpu.memory_space<semaphore_mem>>) {add = true}
      %mul3A_104 = arith.constant 8 : i32
      %mul3A_105 = arith.muli %scan3A_76, %mul3A_104 : i32
      %add3A_106 = arith.constant 3 : i32
      %add3A_107 = arith.addi %mul3A_105, %add3A_106 : i32
      %dma_start3A_108 = arith.constant 0 : i32
      %dma_start3A_109 = tpu.memref_slice %arg4[%add3A_107, %dma_start3A_108] : memref<80x128xi32, #tpu.memory_space<vmem>> -> memref<1x128xi32, #tpu.memory_space<vmem>>
      %dma_start3A_110 = tpu.memref_squeeze %dma_start3A_109 : memref<1x128xi32, #tpu.memory_space<vmem>> -> memref<128xi32, #tpu.memory_space<vmem>>
      %dma_start3A_111 = arith.constant 0 : i32
      %dma_start3A_112 = tpu.memref_slice %arg7[%dma_start3A_111] : memref<10240xf32, #tpu.memory_space<vmem_shared>> -> memref<10240xf32, #tpu.memory_space<vmem_shared>>
      tpu.enqueue_indirect_dma source(%arg5 : memref<128xf32, #tpu.memory_space<vmem>>) target(%dma_start3A_112 : memref<10240xf32, #tpu.memory_space<vmem_shared>>) offsets(%dma_start3A_110 : memref<128xi32, #tpu.memory_space<vmem>>) semaphore(%arg8 : memref<!tpu.dma_semaphore, #tpu.memory_space<semaphore_mem>>) {add = true}
      %mul3A_113 = arith.constant 8 : i32
      %mul3A_114 = arith.muli %scan3A_76, %mul3A_113 : i32
      %add3A_115 = arith.constant 4 : i32
      %add3A_116 = arith.addi %mul3A_114, %add3A_115 : i32
      %dma_start3A_117 = arith.constant 0 : i32
      %dma_start3A_118 = tpu.memref_slice %arg4[%add3A_116, %dma_start3A_117] : memref<80x128xi32, #tpu.memory_space<vmem>> -> memref<1x128xi32, #tpu.memory_space<vmem>>
      %dma_start3A_119 = tpu.memref_squeeze %dma_start3A_118 : memref<1x128xi32, #tpu.memory_space<vmem>> -> memref<128xi32, #tpu.memory_space<vmem>>
      %dma_start3A_120 = arith.constant 0 : i32
      %dma_start3A_121 = tpu.memref_slice %arg7[%dma_start3A_120] : memref<10240xf32, #tpu.memory_space<vmem_shared>> -> memref<10240xf32, #tpu.memory_space<vmem_shared>>
      tpu.enqueue_indirect_dma source(%arg5 : memref<128xf32, #tpu.memory_space<vmem>>) target(%dma_start3A_121 : memref<10240xf32, #tpu.memory_space<vmem_shared>>) offsets(%dma_start3A_119 : memref<128xi32, #tpu.memory_space<vmem>>) semaphore(%arg8 : memref<!tpu.dma_semaphore, #tpu.memory_space<semaphore_mem>>) {add = true}
      %mul3A_122 = arith.constant 8 : i32
      %mul3A_123 = arith.muli %scan3A_76, %mul3A_122 : i32
      %add3A_124 = arith.constant 5 : i32
      %add3A_125 = arith.addi %mul3A_123, %add3A_124 : i32
      %dma_start3A_126 = arith.constant 0 : i32
      %dma_start3A_127 = tpu.memref_slice %arg4[%add3A_125, %dma_start3A_126] : memref<80x128xi32, #tpu.memory_space<vmem>> -> memref<1x128xi32, #tpu.memory_space<vmem>>
      %dma_start3A_128 = tpu.memref_squeeze %dma_start3A_127 : memref<1x128xi32, #tpu.memory_space<vmem>> -> memref<128xi32, #tpu.memory_space<vmem>>
      %dma_start3A_129 = arith.constant 0 : i32
      %dma_start3A_130 = tpu.memref_slice %arg7[%dma_start3A_129] : memref<10240xf32, #tpu.memory_space<vmem_shared>> -> memref<10240xf32, #tpu.memory_space<vmem_shared>>
      tpu.enqueue_indirect_dma source(%arg5 : memref<128xf32, #tpu.memory_space<vmem>>) target(%dma_start3A_130 : memref<10240xf32, #tpu.memory_space<vmem_shared>>) offsets(%dma_start3A_128 : memref<128xi32, #tpu.memory_space<vmem>>) semaphore(%arg8 : memref<!tpu.dma_semaphore, #tpu.memory_space<semaphore_mem>>) {add = true}
      %mul3A_131 = arith.constant 8 : i32
      %mul3A_132 = arith.muli %scan3A_76, %mul3A_131 : i32
      %add3A_133 = arith.constant 6 : i32
      %add3A_134 = arith.addi %mul3A_132, %add3A_133 : i32
      %dma_start3A_135 = arith.constant 0 : i32
      %dma_start3A_136 = tpu.memref_slice %arg4[%add3A_134, %dma_start3A_135] : memref<80x128xi32, #tpu.memory_space<vmem>> -> memref<1x128xi32, #tpu.memory_space<vmem>>
      %dma_start3A_137 = tpu.memref_squeeze %dma_start3A_136 : memref<1x128xi32, #tpu.memory_space<vmem>> -> memref<128xi32, #tpu.memory_space<vmem>>
      %dma_start3A_138 = arith.constant 0 : i32
      %dma_start3A_139 = tpu.memref_slice %arg7[%dma_start3A_138] : memref<10240xf32, #tpu.memory_space<vmem_shared>> -> memref<10240xf32, #tpu.memory_space<vmem_shared>>
      tpu.enqueue_indirect_dma source(%arg5 : memref<128xf32, #tpu.memory_space<vmem>>) target(%dma_start3A_139 : memref<10240xf32, #tpu.memory_space<vmem_shared>>) offsets(%dma_start3A_137 : memref<128xi32, #tpu.memory_space<vmem>>) semaphore(%arg8 : memref<!tpu.dma_semaphore, #tpu.memory_space<semaphore_mem>>) {add = true}
      %mul3A_140 = arith.constant 8 : i32
      %mul3A_141 = arith.muli %scan3A_76, %mul3A_140 : i32
      %add3A_142 = arith.constant 7 : i32
      %add3A_143 = arith.addi %mul3A_141, %add3A_142 : i32
      %dma_start3A_144 = arith.constant 0 : i32
      %dma_start3A_145 = tpu.memref_slice %arg4[%add3A_143, %dma_start3A_144] : memref<80x128xi32, #tpu.memory_space<vmem>> -> memref<1x128xi32, #tpu.memory_space<vmem>>
      %dma_start3A_146 = tpu.memref_squeeze %dma_start3A_145 : memref<1x128xi32, #tpu.memory_space<vmem>> -> memref<128xi32, #tpu.memory_space<vmem>>
      %dma_start3A_147 = arith.constant 0 : i32
      %dma_start3A_148 = tpu.memref_slice %arg7[%dma_start3A_147] : memref<10240xf32, #tpu.memory_space<vmem_shared>> -> memref<10240xf32, #tpu.memory_space<vmem_shared>>
      tpu.enqueue_indirect_dma source(%arg5 : memref<128xf32, #tpu.memory_space<vmem>>) target(%dma_start3A_148 : memref<10240xf32, #tpu.memory_space<vmem_shared>>) offsets(%dma_start3A_146 : memref<128xi32, #tpu.memory_space<vmem>>) semaphore(%arg8 : memref<!tpu.dma_semaphore, #tpu.memory_space<semaphore_mem>>) {add = true}
      %mul3A_149 = arith.constant 8 : i32
      %mul3A_150 = arith.muli %scan3A_76, %mul3A_149 : i32
      %add3A_151 = arith.constant 0 : i32
      %add3A_152 = arith.addi %mul3A_150, %add3A_151 : i32
      %dma_wait3A = arith.constant 0 : i32
      %dma_wait3A_153 = tpu.memref_slice %arg4[%add3A_152, %dma_wait3A] : memref<80x128xi32, #tpu.memory_space<vmem>> -> memref<1x128xi32, #tpu.memory_space<vmem>>
      %dma_wait3A_154 = tpu.memref_squeeze %dma_wait3A_153 : memref<1x128xi32, #tpu.memory_space<vmem>> -> memref<128xi32, #tpu.memory_space<vmem>>
      %dma_wait3A_155 = arith.constant 0 : i32
      %dma_wait3A_156 = tpu.memref_slice %arg7[%dma_wait3A_155] : memref<10240xf32, #tpu.memory_space<vmem_shared>> -> memref<10240xf32, #tpu.memory_space<vmem_shared>>
      tpu.wait_indirect_dma semaphore(%arg8 : memref<!tpu.dma_semaphore, #tpu.memory_space<semaphore_mem>>) src(%arg5 : memref<128xf32, #tpu.memory_space<vmem>>) dst(%dma_wait3A_156 : memref<10240xf32, #tpu.memory_space<vmem_shared>>)
      %mul3A_157 = arith.constant 8 : i32
      %mul3A_158 = arith.muli %scan3A_76, %mul3A_157 : i32
      %add3A_159 = arith.constant 1 : i32
      %add3A_160 = arith.addi %mul3A_158, %add3A_159 : i32
      %dma_wait3A_161 = arith.constant 0 : i32
      %dma_wait3A_162 = tpu.memref_slice %arg4[%add3A_160, %dma_wait3A_161] : memref<80x128xi32, #tpu.memory_space<vmem>> -> memref<1x128xi32, #tpu.memory_space<vmem>>
      %dma_wait3A_163 = tpu.memref_squeeze %dma_wait3A_162 : memref<1x128xi32, #tpu.memory_space<vmem>> -> memref<128xi32, #tpu.memory_space<vmem>>
      %dma_wait3A_164 = arith.constant 0 : i32
      %dma_wait3A_165 = tpu.memref_slice %arg7[%dma_wait3A_164] : memref<10240xf32, #tpu.memory_space<vmem_shared>> -> memref<10240xf32, #tpu.memory_space<vmem_shared>>
      tpu.wait_indirect_dma semaphore(%arg8 : memref<!tpu.dma_semaphore, #tpu.memory_space<semaphore_mem>>) src(%arg5 : memref<128xf32, #tpu.memory_space<vmem>>) dst(%dma_wait3A_165 : memref<10240xf32, #tpu.memory_space<vmem_shared>>)
      %mul3A_166 = arith.constant 8 : i32
      %mul3A_167 = arith.muli %scan3A_76, %mul3A_166 : i32
      %add3A_168 = arith.constant 2 : i32
      %add3A_169 = arith.addi %mul3A_167, %add3A_168 : i32
      %dma_wait3A_170 = arith.constant 0 : i32
      %dma_wait3A_171 = tpu.memref_slice %arg4[%add3A_169, %dma_wait3A_170] : memref<80x128xi32, #tpu.memory_space<vmem>> -> memref<1x128xi32, #tpu.memory_space<vmem>>
      %dma_wait3A_172 = tpu.memref_squeeze %dma_wait3A_171 : memref<1x128xi32, #tpu.memory_space<vmem>> -> memref<128xi32, #tpu.memory_space<vmem>>
      %dma_wait3A_173 = arith.constant 0 : i32
      %dma_wait3A_174 = tpu.memref_slice %arg7[%dma_wait3A_173] : memref<10240xf32, #tpu.memory_space<vmem_shared>> -> memref<10240xf32, #tpu.memory_space<vmem_shared>>
      tpu.wait_indirect_dma semaphore(%arg8 : memref<!tpu.dma_semaphore, #tpu.memory_space<semaphore_mem>>) src(%arg5 : memref<128xf32, #tpu.memory_space<vmem>>) dst(%dma_wait3A_174 : memref<10240xf32, #tpu.memory_space<vmem_shared>>)
      %mul3A_175 = arith.constant 8 : i32
      %mul3A_176 = arith.muli %scan3A_76, %mul3A_175 : i32
      %add3A_177 = arith.constant 3 : i32
      %add3A_178 = arith.addi %mul3A_176, %add3A_177 : i32
      %dma_wait3A_179 = arith.constant 0 : i32
      %dma_wait3A_180 = tpu.memref_slice %arg4[%add3A_178, %dma_wait3A_179] : memref<80x128xi32, #tpu.memory_space<vmem>> -> memref<1x128xi32, #tpu.memory_space<vmem>>
      %dma_wait3A_181 = tpu.memref_squeeze %dma_wait3A_180 : memref<1x128xi32, #tpu.memory_space<vmem>> -> memref<128xi32, #tpu.memory_space<vmem>>
      %dma_wait3A_182 = arith.constant 0 : i32
      %dma_wait3A_183 = tpu.memref_slice %arg7[%dma_wait3A_182] : memref<10240xf32, #tpu.memory_space<vmem_shared>> -> memref<10240xf32, #tpu.memory_space<vmem_shared>>
      tpu.wait_indirect_dma semaphore(%arg8 : memref<!tpu.dma_semaphore, #tpu.memory_space<semaphore_mem>>) src(%arg5 : memref<128xf32, #tpu.memory_space<vmem>>) dst(%dma_wait3A_183 : memref<10240xf32, #tpu.memory_space<vmem_shared>>)
      %mul3A_184 = arith.constant 8 : i32
      %mul3A_185 = arith.muli %scan3A_76, %mul3A_184 : i32
      %add3A_186 = arith.constant 4 : i32
      %add3A_187 = arith.addi %mul3A_185, %add3A_186 : i32
      %dma_wait3A_188 = arith.constant 0 : i32
      %dma_wait3A_189 = tpu.memref_slice %arg4[%add3A_187, %dma_wait3A_188] : memref<80x128xi32, #tpu.memory_space<vmem>> -> memref<1x128xi32, #tpu.memory_space<vmem>>
      %dma_wait3A_190 = tpu.memref_squeeze %dma_wait3A_189 : memref<1x128xi32, #tpu.memory_space<vmem>> -> memref<128xi32, #tpu.memory_space<vmem>>
      %dma_wait3A_191 = arith.constant 0 : i32
      %dma_wait3A_192 = tpu.memref_slice %arg7[%dma_wait3A_191] : memref<10240xf32, #tpu.memory_space<vmem_shared>> -> memref<10240xf32, #tpu.memory_space<vmem_shared>>
      tpu.wait_indirect_dma semaphore(%arg8 : memref<!tpu.dma_semaphore, #tpu.memory_space<semaphore_mem>>) src(%arg5 : memref<128xf32, #tpu.memory_space<vmem>>) dst(%dma_wait3A_192 : memref<10240xf32, #tpu.memory_space<vmem_shared>>)
      %mul3A_193 = arith.constant 8 : i32
      %mul3A_194 = arith.muli %scan3A_76, %mul3A_193 : i32
      %add3A_195 = arith.constant 5 : i32
      %add3A_196 = arith.addi %mul3A_194, %add3A_195 : i32
      %dma_wait3A_197 = arith.constant 0 : i32
      %dma_wait3A_198 = tpu.memref_slice %arg4[%add3A_196, %dma_wait3A_197] : memref<80x128xi32, #tpu.memory_space<vmem>> -> memref<1x128xi32, #tpu.memory_space<vmem>>
      %dma_wait3A_199 = tpu.memref_squeeze %dma_wait3A_198 : memref<1x128xi32, #tpu.memory_space<vmem>> -> memref<128xi32, #tpu.memory_space<vmem>>
      %dma_wait3A_200 = arith.constant 0 : i32
      %dma_wait3A_201 = tpu.memref_slice %arg7[%dma_wait3A_200] : memref<10240xf32, #tpu.memory_space<vmem_shared>> -> memref<10240xf32, #tpu.memory_space<vmem_shared>>
      tpu.wait_indirect_dma semaphore(%arg8 : memref<!tpu.dma_semaphore, #tpu.memory_space<semaphore_mem>>) src(%arg5 : memref<128xf32, #tpu.memory_space<vmem>>) dst(%dma_wait3A_201 : memref<10240xf32, #tpu.memory_space<vmem_shared>>)
      %mul3A_202 = arith.constant 8 : i32
      %mul3A_203 = arith.muli %scan3A_76, %mul3A_202 : i32
      %add3A_204 = arith.constant 6 : i32
      %add3A_205 = arith.addi %mul3A_203, %add3A_204 : i32
      %dma_wait3A_206 = arith.constant 0 : i32
      %dma_wait3A_207 = tpu.memref_slice %arg4[%add3A_205, %dma_wait3A_206] : memref<80x128xi32, #tpu.memory_space<vmem>> -> memref<1x128xi32, #tpu.memory_space<vmem>>
      %dma_wait3A_208 = tpu.memref_squeeze %dma_wait3A_207 : memref<1x128xi32, #tpu.memory_space<vmem>> -> memref<128xi32, #tpu.memory_space<vmem>>
      %dma_wait3A_209 = arith.constant 0 : i32
      %dma_wait3A_210 = tpu.memref_slice %arg7[%dma_wait3A_209] : memref<10240xf32, #tpu.memory_space<vmem_shared>> -> memref<10240xf32, #tpu.memory_space<vmem_shared>>
      tpu.wait_indirect_dma semaphore(%arg8 : memref<!tpu.dma_semaphore, #tpu.memory_space<semaphore_mem>>) src(%arg5 : memref<128xf32, #tpu.memory_space<vmem>>) dst(%dma_wait3A_210 : memref<10240xf32, #tpu.memory_space<vmem_shared>>)
      %mul3A_211 = arith.constant 8 : i32
      %mul3A_212 = arith.muli %scan3A_76, %mul3A_211 : i32
      %add3A_213 = arith.constant 7 : i32
      %add3A_214 = arith.addi %mul3A_212, %add3A_213 : i32
      %dma_wait3A_215 = arith.constant 0 : i32
      %dma_wait3A_216 = tpu.memref_slice %arg4[%add3A_214, %dma_wait3A_215] : memref<80x128xi32, #tpu.memory_space<vmem>> -> memref<1x128xi32, #tpu.memory_space<vmem>>
      %dma_wait3A_217 = tpu.memref_squeeze %dma_wait3A_216 : memref<1x128xi32, #tpu.memory_space<vmem>> -> memref<128xi32, #tpu.memory_space<vmem>>
      %dma_wait3A_218 = arith.constant 0 : i32
      %dma_wait3A_219 = tpu.memref_slice %arg7[%dma_wait3A_218] : memref<10240xf32, #tpu.memory_space<vmem_shared>> -> memref<10240xf32, #tpu.memory_space<vmem_shared>>
      tpu.wait_indirect_dma semaphore(%arg8 : memref<!tpu.dma_semaphore, #tpu.memory_space<semaphore_mem>>) src(%arg5 : memref<128xf32, #tpu.memory_space<vmem>>) dst(%dma_wait3A_219 : memref<10240xf32, #tpu.memory_space<vmem_shared>>)
      %scan3A_220 = arith.constant 0 : i32
      scf.yield %scan3A_220 : i32
    }
    %scan3A_70 = arith.constant 10 : i32
    %barrier3A_71 = arith.constant 0 : index
    tpu.barrier barrier_id(%barrier3A_71)
    %mul3A_72 = arith.constant 640 : i32
    %mul3A_73 = arith.muli %arg1, %mul3A_72 : i32
    %mul3A_74 = arith.constant 640 : i32
    %mul3A_75 = arith.muli %arg1, %mul3A_74 : i32
    "tpu.region"() ({
      %run_scoped3A = tpu.sem_alloc : memref<!tpu.dma_semaphore, #tpu.memory_space<semaphore_mem>>
      %dma_start3A = tpu.memref_slice %arg3[%arg0, %mul3A_75] : memref<2x10240xf32, #tpu.memory_space<hbm>> -> memref<1x640xf32, #tpu.memory_space<hbm>>
      %dma_start3A_76 = tpu.memref_squeeze %dma_start3A : memref<1x640xf32, #tpu.memory_space<hbm>> -> memref<640xf32, #tpu.memory_space<hbm>>
      %dma_start3A_77 = tpu.memref_slice %arg7[%mul3A_73] : memref<10240xf32, #tpu.memory_space<vmem_shared>> -> memref<640xf32, #tpu.memory_space<vmem_shared>>
      tpu.enqueue_dma source(%dma_start3A_77 : memref<640xf32, #tpu.memory_space<vmem_shared>>) target(%dma_start3A_76 : memref<640xf32, #tpu.memory_space<hbm>>) target_semaphore(%run_scoped3A : memref<!tpu.dma_semaphore, #tpu.memory_space<semaphore_mem>>)
      %dma_wait3A = tpu.memref_slice %arg3[%arg0, %mul3A_75] : memref<2x10240xf32, #tpu.memory_space<hbm>> -> memref<1x640xf32, #tpu.memory_space<hbm>>
      %dma_wait3A_78 = tpu.memref_squeeze %dma_wait3A : memref<1x640xf32, #tpu.memory_space<hbm>> -> memref<640xf32, #tpu.memory_space<hbm>>
      %dma_wait3A_79 = tpu.memref_slice %arg7[%mul3A_73] : memref<10240xf32, #tpu.memory_space<vmem_shared>> -> memref<640xf32, #tpu.memory_space<vmem_shared>>
      tpu.wait_dma2 semaphore(%run_scoped3A : memref<!tpu.dma_semaphore, #tpu.memory_space<semaphore_mem>>) src(%dma_wait3A_79 : memref<640xf32, #tpu.memory_space<vmem_shared>>) dst(%dma_wait3A_78 : memref<640xf32, #tpu.memory_space<hbm>>)
      tpu.yield
    }) : () -> ()
    return
  }
}

#map = affine_map<(d0, d1) -> (0, 0)>
#map1 = affine_map<(d0, d1) -> (0, 0, 0)>
module attributes {stable_mosaic.version = 14 : i64} {
  func.func @_agg_kernel(%arg0: i32, %arg1: i32, %arg2: memref<2560x128xi32, #tpu.memory_space<hbm>>, %arg3: memref<10000x128xf32, #tpu.memory_space<hbm>>, %arg4: memref<2x10240x128xf32, #tpu.memory_space<hbm>>, %arg5: memref<80x128xi32, #tpu.memory_space<vmem>>, %arg6: memref<2x128xi32, #tpu.memory_space<vmem>>, %arg7: memref<2x128xi32, #tpu.memory_space<vmem>>, %arg8: memref<2x128x128xf32, #tpu.memory_space<vmem>>, %arg9: memref<10240x128xf32, #tpu.memory_space<vmem_shared>>, %arg10: memref<!tpu.dma_semaphore, #tpu.memory_space<semaphore_mem>>, %arg11: memref<!tpu.dma_semaphore, #tpu.memory_space<semaphore_mem>>) attributes {dimension_semantics = [#tpu.dimension_semantics<core_parallel>, #tpu.dimension_semantics<subcore_parallel>], iteration_bounds = array<i64: 2, 16>, scalar_prefetch = 0 : i64, scratch_operands = 7 : i64, tpu.core_type = #tpu.core_type<sc_vector_subcore>, window_params = [{transform_indices = #map}, {transform_indices = #map}, {transform_indices = #map1}]} {
    %mul3A = arith.constant 16 : i32
    %mul3A_0 = arith.muli %arg0, %mul3A : i32
    %add3A = arith.addi %mul3A_0, %arg1 : i32
    %eq3A = arith.constant 0 : i32
    %eq3A_1 = arith.cmpi eq, %arg0, %eq3A : i32
    %convert_element_type3A = arith.extui %eq3A_1 : i1 to i32
    %cond3A = arith.constant 0 : i32
    %cond3A_2 = arith.cmpi ne, %convert_element_type3A, %cond3A : i32
    scf.if %cond3A_2 {
      %lt3A = arith.constant 15 : i32
      %lt3A_212 = arith.cmpi slt, %arg1, %lt3A : i32
      %convert_element_type3A_213 = arith.extui %lt3A_212 : i1 to i32
      %cond3A_214 = arith.constant 0 : i32
      %cond3A_215 = arith.cmpi ne, %convert_element_type3A_213, %cond3A_214 : i32
      scf.if %cond3A_215 {
        %mul3A_221 = arith.constant 624 : i32
        %mul3A_222 = arith.muli %arg1, %mul3A_221 : i32
        %mul3A_223 = arith.constant 624 : i32
        %mul3A_224 = arith.muli %arg1, %mul3A_223 : i32
        "tpu.region"() ({
          %run_scoped3A = tpu.sem_alloc : memref<!tpu.dma_semaphore, #tpu.memory_space<semaphore_mem>>
          %dma_start3A_225 = arith.constant 0 : i32
          %dma_start3A_226 = tpu.memref_slice %arg9[%mul3A_224, %dma_start3A_225] : memref<10240x128xf32, #tpu.memory_space<vmem_shared>> -> memref<624x128xf32, #tpu.memory_space<vmem_shared>>
          %dma_start3A_227 = arith.constant 0 : i32
          %dma_start3A_228 = tpu.memref_slice %arg3[%mul3A_222, %dma_start3A_227] : memref<10000x128xf32, #tpu.memory_space<hbm>> -> memref<624x128xf32, #tpu.memory_space<hbm>>
          tpu.enqueue_dma source(%dma_start3A_228 : memref<624x128xf32, #tpu.memory_space<hbm>>) target(%dma_start3A_226 : memref<624x128xf32, #tpu.memory_space<vmem_shared>>) target_semaphore(%run_scoped3A : memref<!tpu.dma_semaphore, #tpu.memory_space<semaphore_mem>>)
          %dma_wait3A = arith.constant 0 : i32
          %dma_wait3A_229 = tpu.memref_slice %arg9[%mul3A_224, %dma_wait3A] : memref<10240x128xf32, #tpu.memory_space<vmem_shared>> -> memref<624x128xf32, #tpu.memory_space<vmem_shared>>
          %dma_wait3A_230 = arith.constant 0 : i32
          %dma_wait3A_231 = tpu.memref_slice %arg3[%mul3A_222, %dma_wait3A_230] : memref<10000x128xf32, #tpu.memory_space<hbm>> -> memref<624x128xf32, #tpu.memory_space<hbm>>
          tpu.wait_dma2 semaphore(%run_scoped3A : memref<!tpu.dma_semaphore, #tpu.memory_space<semaphore_mem>>) src(%dma_wait3A_231 : memref<624x128xf32, #tpu.memory_space<hbm>>) dst(%dma_wait3A_229 : memref<624x128xf32, #tpu.memory_space<vmem_shared>>)
          tpu.yield
        }) : () -> ()
      } else {
      }
      %eq3A_216 = arith.constant 15 : i32
      %eq3A_217 = arith.cmpi eq, %arg1, %eq3A_216 : i32
      %convert_element_type3A_218 = arith.extui %eq3A_217 : i1 to i32
      %cond3A_219 = arith.constant 0 : i32
      %cond3A_220 = arith.cmpi ne, %convert_element_type3A_218, %cond3A_219 : i32
      scf.if %cond3A_220 {
        "tpu.region"() ({
          %run_scoped3A = tpu.sem_alloc : memref<!tpu.dma_semaphore, #tpu.memory_space<semaphore_mem>>
          %dma_start3A_221 = arith.constant 9360 : i32
          %dma_start3A_222 = arith.constant 0 : i32
          %dma_start3A_223 = tpu.memref_slice %arg9[%dma_start3A_221, %dma_start3A_222] : memref<10240x128xf32, #tpu.memory_space<vmem_shared>> -> memref<640x128xf32, #tpu.memory_space<vmem_shared>>
          %dma_start3A_224 = arith.constant 9360 : i32
          %dma_start3A_225 = arith.constant 0 : i32
          %dma_start3A_226 = tpu.memref_slice %arg3[%dma_start3A_224, %dma_start3A_225] : memref<10000x128xf32, #tpu.memory_space<hbm>> -> memref<640x128xf32, #tpu.memory_space<hbm>>
          tpu.enqueue_dma source(%dma_start3A_226 : memref<640x128xf32, #tpu.memory_space<hbm>>) target(%dma_start3A_223 : memref<640x128xf32, #tpu.memory_space<vmem_shared>>) target_semaphore(%run_scoped3A : memref<!tpu.dma_semaphore, #tpu.memory_space<semaphore_mem>>)
          %dma_wait3A = arith.constant 9360 : i32
          %dma_wait3A_227 = arith.constant 0 : i32
          %dma_wait3A_228 = tpu.memref_slice %arg9[%dma_wait3A, %dma_wait3A_227] : memref<10240x128xf32, #tpu.memory_space<vmem_shared>> -> memref<640x128xf32, #tpu.memory_space<vmem_shared>>
          %dma_wait3A_229 = arith.constant 9360 : i32
          %dma_wait3A_230 = arith.constant 0 : i32
          %dma_wait3A_231 = tpu.memref_slice %arg3[%dma_wait3A_229, %dma_wait3A_230] : memref<10000x128xf32, #tpu.memory_space<hbm>> -> memref<640x128xf32, #tpu.memory_space<hbm>>
          tpu.wait_dma2 semaphore(%run_scoped3A : memref<!tpu.dma_semaphore, #tpu.memory_space<semaphore_mem>>) src(%dma_wait3A_231 : memref<640x128xf32, #tpu.memory_space<hbm>>) dst(%dma_wait3A_228 : memref<640x128xf32, #tpu.memory_space<vmem_shared>>)
          tpu.yield
        }) : () -> ()
      } else {
      }
    } else {
    }
    %eq3A_3 = arith.constant 1 : i32
    %eq3A_4 = arith.cmpi eq, %arg0, %eq3A_3 : i32
    %convert_element_type3A_5 = arith.extui %eq3A_4 : i1 to i32
    %cond3A_6 = arith.constant 0 : i32
    %cond3A_7 = arith.cmpi ne, %convert_element_type3A_5, %cond3A_6 : i32
    scf.if %cond3A_7 {
      %scan3A_212 = arith.constant 0 : i32
      %scan3A_213 = arith.constant 0 : i32
      %scan3A_214 = arith.constant 128 : i32
      %scan3A_215 = arith.addi %scan3A_213, %scan3A_214 : i32
      %scan3A_216 = arith.constant 1 : i32
      %scan3A_217 = scf.for %scan3A_243 = %scan3A_213 to %scan3A_215 step %scan3A_216 iter_args(%scan3A_244 = %scan3A_212) -> (i32)  : i32 {
        %broadcast_in_dim3A = arith.constant 0.000000e+00 : f32
        %broadcast_in_dim3A_245 = vector.broadcast %broadcast_in_dim3A : f32 to vector<16xf32>
        %swap3A_246 = arith.constant 0 : i32
        %swap3A_247 = arith.index_cast %swap3A_246 : i32 to index
        %swap3A_248 = arith.index_cast %scan3A_243 : i32 to index
        %swap3A_249 = arith.constant 0 : index
        %swap3A_250 = tpu.vector_load %arg8[%swap3A_247, %swap3A_248, %swap3A_249] {strides = array<i32>} : memref<2x128x128xf32, #tpu.memory_space<vmem>>, vector<1x1x16xf32>,
        %swap3A_251 = vector.shape_cast %swap3A_250 : vector<1x1x16xf32> to vector<16xf32>
        %swap3A_252 = vector.shape_cast %broadcast_in_dim3A_245 : vector<16xf32> to vector<1x1x16xf32>
        tpu.vector_store %arg8[%swap3A_247, %swap3A_248, %swap3A_249], %swap3A_252 {strides = array<i32>} : memref<2x128x128xf32, #tpu.memory_space<vmem>>, vector<1x1x16xf32>,
        %broadcast_in_dim3A_253 = arith.constant 0.000000e+00 : f32
        %broadcast_in_dim3A_254 = vector.broadcast %broadcast_in_dim3A_253 : f32 to vector<16xf32>
        %swap3A_255 = arith.constant 0 : i32
        %swap3A_256 = arith.index_cast %swap3A_255 : i32 to index
        %swap3A_257 = arith.index_cast %scan3A_243 : i32 to index
        %swap3A_258 = arith.constant 16 : index
        %swap3A_259 = tpu.vector_load %arg8[%swap3A_256, %swap3A_257, %swap3A_258] {strides = array<i32>} : memref<2x128x128xf32, #tpu.memory_space<vmem>>, vector<1x1x16xf32>,
        %swap3A_260 = vector.shape_cast %swap3A_259 : vector<1x1x16xf32> to vector<16xf32>
        %swap3A_261 = vector.shape_cast %broadcast_in_dim3A_254 : vector<16xf32> to vector<1x1x16xf32>
        tpu.vector_store %arg8[%swap3A_256, %swap3A_257, %swap3A_258], %swap3A_261 {strides = array<i32>} : memref<2x128x128xf32, #tpu.memory_space<vmem>>, vector<1x1x16xf32>,
        %broadcast_in_dim3A_262 = arith.constant 0.000000e+00 : f32
        %broadcast_in_dim3A_263 = vector.broadcast %broadcast_in_dim3A_262 : f32 to vector<16xf32>
        %swap3A_264 = arith.constant 0 : i32
        %swap3A_265 = arith.index_cast %swap3A_264 : i32 to index
        %swap3A_266 = arith.index_cast %scan3A_243 : i32 to index
        %swap3A_267 = arith.constant 32 : index
        %swap3A_268 = tpu.vector_load %arg8[%swap3A_265, %swap3A_266, %swap3A_267] {strides = array<i32>} : memref<2x128x128xf32, #tpu.memory_space<vmem>>, vector<1x1x16xf32>,
        %swap3A_269 = vector.shape_cast %swap3A_268 : vector<1x1x16xf32> to vector<16xf32>
        %swap3A_270 = vector.shape_cast %broadcast_in_dim3A_263 : vector<16xf32> to vector<1x1x16xf32>
        tpu.vector_store %arg8[%swap3A_265, %swap3A_266, %swap3A_267], %swap3A_270 {strides = array<i32>} : memref<2x128x128xf32, #tpu.memory_space<vmem>>, vector<1x1x16xf32>,
        %broadcast_in_dim3A_271 = arith.constant 0.000000e+00 : f32
        %broadcast_in_dim3A_272 = vector.broadcast %broadcast_in_dim3A_271 : f32 to vector<16xf32>
        %swap3A_273 = arith.constant 0 : i32
        %swap3A_274 = arith.index_cast %swap3A_273 : i32 to index
        %swap3A_275 = arith.index_cast %scan3A_243 : i32 to index
        %swap3A_276 = arith.constant 48 : index
        %swap3A_277 = tpu.vector_load %arg8[%swap3A_274, %swap3A_275, %swap3A_276] {strides = array<i32>} : memref<2x128x128xf32, #tpu.memory_space<vmem>>, vector<1x1x16xf32>,
        %swap3A_278 = vector.shape_cast %swap3A_277 : vector<1x1x16xf32> to vector<16xf32>
        %swap3A_279 = vector.shape_cast %broadcast_in_dim3A_272 : vector<16xf32> to vector<1x1x16xf32>
        tpu.vector_store %arg8[%swap3A_274, %swap3A_275, %swap3A_276], %swap3A_279 {strides = array<i32>} : memref<2x128x128xf32, #tpu.memory_space<vmem>>, vector<1x1x16xf32>,
        %broadcast_in_dim3A_280 = arith.constant 0.000000e+00 : f32
        %broadcast_in_dim3A_281 = vector.broadcast %broadcast_in_dim3A_280 : f32 to vector<16xf32>
        %swap3A_282 = arith.constant 0 : i32
        %swap3A_283 = arith.index_cast %swap3A_282 : i32 to index
        %swap3A_284 = arith.index_cast %scan3A_243 : i32 to index
        %swap3A_285 = arith.constant 64 : index
        %swap3A_286 = tpu.vector_load %arg8[%swap3A_283, %swap3A_284, %swap3A_285] {strides = array<i32>} : memref<2x128x128xf32, #tpu.memory_space<vmem>>, vector<1x1x16xf32>,
        %swap3A_287 = vector.shape_cast %swap3A_286 : vector<1x1x16xf32> to vector<16xf32>
        %swap3A_288 = vector.shape_cast %broadcast_in_dim3A_281 : vector<16xf32> to vector<1x1x16xf32>
        tpu.vector_store %arg8[%swap3A_283, %swap3A_284, %swap3A_285], %swap3A_288 {strides = array<i32>} : memref<2x128x128xf32, #tpu.memory_space<vmem>>, vector<1x1x16xf32>,
        %broadcast_in_dim3A_289 = arith.constant 0.000000e+00 : f32
        %broadcast_in_dim3A_290 = vector.broadcast %broadcast_in_dim3A_289 : f32 to vector<16xf32>
        %swap3A_291 = arith.constant 0 : i32
        %swap3A_292 = arith.index_cast %swap3A_291 : i32 to index
        %swap3A_293 = arith.index_cast %scan3A_243 : i32 to index
        %swap3A_294 = arith.constant 80 : index
        %swap3A_295 = tpu.vector_load %arg8[%swap3A_292, %swap3A_293, %swap3A_294] {strides = array<i32>} : memref<2x128x128xf32, #tpu.memory_space<vmem>>, vector<1x1x16xf32>,
        %swap3A_296 = vector.shape_cast %swap3A_295 : vector<1x1x16xf32> to vector<16xf32>
        %swap3A_297 = vector.shape_cast %broadcast_in_dim3A_290 : vector<16xf32> to vector<1x1x16xf32>
        tpu.vector_store %arg8[%swap3A_292, %swap3A_293, %swap3A_294], %swap3A_297 {strides = array<i32>} : memref<2x128x128xf32, #tpu.memory_space<vmem>>, vector<1x1x16xf32>,
        %broadcast_in_dim3A_298 = arith.constant 0.000000e+00 : f32
        %broadcast_in_dim3A_299 = vector.broadcast %broadcast_in_dim3A_298 : f32 to vector<16xf32>
        %swap3A_300 = arith.constant 0 : i32
        %swap3A_301 = arith.index_cast %swap3A_300 : i32 to index
        %swap3A_302 = arith.index_cast %scan3A_243 : i32 to index
        %swap3A_303 = arith.constant 96 : index
        %swap3A_304 = tpu.vector_load %arg8[%swap3A_301, %swap3A_302, %swap3A_303] {strides = array<i32>} : memref<2x128x128xf32, #tpu.memory_space<vmem>>, vector<1x1x16xf32>,
        %swap3A_305 = vector.shape_cast %swap3A_304 : vector<1x1x16xf32> to vector<16xf32>
        %swap3A_306 = vector.shape_cast %broadcast_in_dim3A_299 : vector<16xf32> to vector<1x1x16xf32>
        tpu.vector_store %arg8[%swap3A_301, %swap3A_302, %swap3A_303], %swap3A_306 {strides = array<i32>} : memref<2x128x128xf32, #tpu.memory_space<vmem>>, vector<1x1x16xf32>,
        %broadcast_in_dim3A_307 = arith.constant 0.000000e+00 : f32
        %broadcast_in_dim3A_308 = vector.broadcast %broadcast_in_dim3A_307 : f32 to vector<16xf32>
        %swap3A_309 = arith.constant 0 : i32
        %swap3A_310 = arith.index_cast %swap3A_309 : i32 to index
        %swap3A_311 = arith.index_cast %scan3A_243 : i32 to index
        %swap3A_312 = arith.constant 112 : index
        %swap3A_313 = tpu.vector_load %arg8[%swap3A_310, %swap3A_311, %swap3A_312] {strides = array<i32>} : memref<2x128x128xf32, #tpu.memory_space<vmem>>, vector<1x1x16xf32>,
        %swap3A_314 = vector.shape_cast %swap3A_313 : vector<1x1x16xf32> to vector<16xf32>
        %swap3A_315 = vector.shape_cast %broadcast_in_dim3A_308 : vector<16xf32> to vector<1x1x16xf32>
        tpu.vector_store %arg8[%swap3A_310, %swap3A_311, %swap3A_312], %swap3A_315 {strides = array<i32>} : memref<2x128x128xf32, #tpu.memory_space<vmem>>, vector<1x1x16xf32>,
        %scan3A_316 = arith.constant 0 : i32
        scf.yield %scan3A_316 : i32
      }
      %scan3A_218 = arith.constant 128 : i32
      %mul3A_219 = arith.constant 640 : i32
      %mul3A_220 = arith.muli %arg1, %mul3A_219 : i32
      %add3A_221 = arith.constant 0 : i32
      %add3A_222 = arith.addi %mul3A_220, %add3A_221 : i32
      %run_scoped3A = arith.constant 0 : i32
      "tpu.region"() ({
        %run_scoped3A_243 = tpu.sem_alloc : memref<!tpu.dma_semaphore, #tpu.memory_space<semaphore_mem>>
        %dma_start3A_244 = arith.constant 0 : i32
        %dma_start3A_245 = arith.constant 0 : i32
        %dma_start3A_246 = tpu.memref_slice %arg8[%run_scoped3A, %dma_start3A_244, %dma_start3A_245] : memref<2x128x128xf32, #tpu.memory_space<vmem>> -> memref<1x128x128xf32, #tpu.memory_space<vmem>>
        %dma_start3A_247 = tpu.memref_squeeze %dma_start3A_246 : memref<1x128x128xf32, #tpu.memory_space<vmem>> -> memref<128x128xf32, #tpu.memory_space<vmem>>
        %dma_start3A_248 = arith.constant 0 : i32
        %dma_start3A_249 = tpu.memref_slice %arg9[%add3A_222, %dma_start3A_248] : memref<10240x128xf32, #tpu.memory_space<vmem_shared>> -> memref<128x128xf32, #tpu.memory_space<vmem_shared>>
        %dma_start3A_250 = arith.constant 0 : i32
        %dma_start3A_251 = tpu.memref_slice %arg9[%add3A_222, %dma_start3A_250] : memref<10240x128xf32, #tpu.memory_space<vmem_shared>> -> memref<128x128xf32, #tpu.memory_space<vmem_shared>>
        %dma_start3A_252 = arith.constant 0 : i32
        %dma_start3A_253 = arith.constant 0 : i32
        %dma_start3A_254 = tpu.memref_slice %arg8[%run_scoped3A, %dma_start3A_252, %dma_start3A_253] : memref<2x128x128xf32, #tpu.memory_space<vmem>> -> memref<1x128x128xf32, #tpu.memory_space<vmem>>
        %dma_start3A_255 = tpu.memref_squeeze %dma_start3A_254 : memref<1x128x128xf32, #tpu.memory_space<vmem>> -> memref<128x128xf32, #tpu.memory_space<vmem>>
        tpu.enqueue_dma source(%dma_start3A_255 : memref<128x128xf32, #tpu.memory_space<vmem>>) target(%dma_start3A_251 : memref<128x128xf32, #tpu.memory_space<vmem_shared>>) target_semaphore(%run_scoped3A_243 : memref<!tpu.dma_semaphore, #tpu.memory_space<semaphore_mem>>)
        %dma_wait3A = arith.constant 0 : i32
        %dma_wait3A_256 = arith.constant 0 : i32
        %dma_wait3A_257 = tpu.memref_slice %arg8[%run_scoped3A, %dma_wait3A, %dma_wait3A_256] : memref<2x128x128xf32, #tpu.memory_space<vmem>> -> memref<1x128x128xf32, #tpu.memory_space<vmem>>
        %dma_wait3A_258 = tpu.memref_squeeze %dma_wait3A_257 : memref<1x128x128xf32, #tpu.memory_space<vmem>> -> memref<128x128xf32, #tpu.memory_space<vmem>>
        %dma_wait3A_259 = arith.constant 0 : i32
        %dma_wait3A_260 = tpu.memref_slice %arg9[%add3A_222, %dma_wait3A_259] : memref<10240x128xf32, #tpu.memory_space<vmem_shared>> -> memref<128x128xf32, #tpu.memory_space<vmem_shared>>
        %dma_wait3A_261 = arith.constant 0 : i32
        %dma_wait3A_262 = tpu.memref_slice %arg9[%add3A_222, %dma_wait3A_261] : memref<10240x128xf32, #tpu.memory_space<vmem_shared>> -> memref<128x128xf32, #tpu.memory_space<vmem_shared>>
        %dma_wait3A_263 = arith.constant 0 : i32
        %dma_wait3A_264 = arith.constant 0 : i32
        %dma_wait3A_265 = tpu.memref_slice %arg8[%run_scoped3A, %dma_wait3A_263, %dma_wait3A_264] : memref<2x128x128xf32, #tpu.memory_space<vmem>> -> memref<1x128x128xf32, #tpu.memory_space<vmem>>
        %dma_wait3A_266 = tpu.memref_squeeze %dma_wait3A_265 : memref<1x128x128xf32, #tpu.memory_space<vmem>> -> memref<128x128xf32, #tpu.memory_space<vmem>>
        tpu.wait_dma2 semaphore(%run_scoped3A_243 : memref<!tpu.dma_semaphore, #tpu.memory_space<semaphore_mem>>) src(%dma_wait3A_266 : memref<128x128xf32, #tpu.memory_space<vmem>>) dst(%dma_wait3A_262 : memref<128x128xf32, #tpu.memory_space<vmem_shared>>)
        tpu.yield
      }) : () -> ()
      %mul3A_223 = arith.constant 640 : i32
      %mul3A_224 = arith.muli %arg1, %mul3A_223 : i32
      %add3A_225 = arith.constant 128 : i32
      %add3A_226 = arith.addi %mul3A_224, %add3A_225 : i32
      %run_scoped3A_227 = arith.constant 0 : i32
      "tpu.region"() ({
        %run_scoped3A_243 = tpu.sem_alloc : memref<!tpu.dma_semaphore, #tpu.memory_space<semaphore_mem>>
        %dma_start3A_244 = arith.constant 0 : i32
        %dma_start3A_245 = arith.constant 0 : i32
        %dma_start3A_246 = tpu.memref_slice %arg8[%run_scoped3A_227, %dma_start3A_244, %dma_start3A_245] : memref<2x128x128xf32, #tpu.memory_space<vmem>> -> memref<1x128x128xf32, #tpu.memory_space<vmem>>
        %dma_start3A_247 = tpu.memref_squeeze %dma_start3A_246 : memref<1x128x128xf32, #tpu.memory_space<vmem>> -> memref<128x128xf32, #tpu.memory_space<vmem>>
        %dma_start3A_248 = arith.constant 0 : i32
        %dma_start3A_249 = tpu.memref_slice %arg9[%add3A_226, %dma_start3A_248] : memref<10240x128xf32, #tpu.memory_space<vmem_shared>> -> memref<128x128xf32, #tpu.memory_space<vmem_shared>>
        %dma_start3A_250 = arith.constant 0 : i32
        %dma_start3A_251 = tpu.memref_slice %arg9[%add3A_226, %dma_start3A_250] : memref<10240x128xf32, #tpu.memory_space<vmem_shared>> -> memref<128x128xf32, #tpu.memory_space<vmem_shared>>
        %dma_start3A_252 = arith.constant 0 : i32
        %dma_start3A_253 = arith.constant 0 : i32
        %dma_start3A_254 = tpu.memref_slice %arg8[%run_scoped3A_227, %dma_start3A_252, %dma_start3A_253] : memref<2x128x128xf32, #tpu.memory_space<vmem>> -> memref<1x128x128xf32, #tpu.memory_space<vmem>>
        %dma_start3A_255 = tpu.memref_squeeze %dma_start3A_254 : memref<1x128x128xf32, #tpu.memory_space<vmem>> -> memref<128x128xf32, #tpu.memory_space<vmem>>
        tpu.enqueue_dma source(%dma_start3A_255 : memref<128x128xf32, #tpu.memory_space<vmem>>) target(%dma_start3A_251 : memref<128x128xf32, #tpu.memory_space<vmem_shared>>) target_semaphore(%run_scoped3A_243 : memref<!tpu.dma_semaphore, #tpu.memory_space<semaphore_mem>>)
        %dma_wait3A = arith.constant 0 : i32
        %dma_wait3A_256 = arith.constant 0 : i32
        %dma_wait3A_257 = tpu.memref_slice %arg8[%run_scoped3A_227, %dma_wait3A, %dma_wait3A_256] : memref<2x128x128xf32, #tpu.memory_space<vmem>> -> memref<1x128x128xf32, #tpu.memory_space<vmem>>
        %dma_wait3A_258 = tpu.memref_squeeze %dma_wait3A_257 : memref<1x128x128xf32, #tpu.memory_space<vmem>> -> memref<128x128xf32, #tpu.memory_space<vmem>>
        %dma_wait3A_259 = arith.constant 0 : i32
        %dma_wait3A_260 = tpu.memref_slice %arg9[%add3A_226, %dma_wait3A_259] : memref<10240x128xf32, #tpu.memory_space<vmem_shared>> -> memref<128x128xf32, #tpu.memory_space<vmem_shared>>
        %dma_wait3A_261 = arith.constant 0 : i32
        %dma_wait3A_262 = tpu.memref_slice %arg9[%add3A_226, %dma_wait3A_261] : memref<10240x128xf32, #tpu.memory_space<vmem_shared>> -> memref<128x128xf32, #tpu.memory_space<vmem_shared>>
        %dma_wait3A_263 = arith.constant 0 : i32
        %dma_wait3A_264 = arith.constant 0 : i32
        %dma_wait3A_265 = tpu.memref_slice %arg8[%run_scoped3A_227, %dma_wait3A_263, %dma_wait3A_264] : memref<2x128x128xf32, #tpu.memory_space<vmem>> -> memref<1x128x128xf32, #tpu.memory_space<vmem>>
        %dma_wait3A_266 = tpu.memref_squeeze %dma_wait3A_265 : memref<1x128x128xf32, #tpu.memory_space<vmem>> -> memref<128x128xf32, #tpu.memory_space<vmem>>
        tpu.wait_dma2 semaphore(%run_scoped3A_243 : memref<!tpu.dma_semaphore, #tpu.memory_space<semaphore_mem>>) src(%dma_wait3A_266 : memref<128x128xf32, #tpu.memory_space<vmem>>) dst(%dma_wait3A_262 : memref<128x128xf32, #tpu.memory_space<vmem_shared>>)
        tpu.yield
      }) : () -> ()
      %mul3A_228 = arith.constant 640 : i32
      %mul3A_229 = arith.muli %arg1, %mul3A_228 : i32
      %add3A_230 = arith.constant 256 : i32
      %add3A_231 = arith.addi %mul3A_229, %add3A_230 : i32
      %run_scoped3A_232 = arith.constant 0 : i32
      "tpu.region"() ({
        %run_scoped3A_243 = tpu.sem_alloc : memref<!tpu.dma_semaphore, #tpu.memory_space<semaphore_mem>>
        %dma_start3A_244 = arith.constant 0 : i32
        %dma_start3A_245 = arith.constant 0 : i32
        %dma_start3A_246 = tpu.memref_slice %arg8[%run_scoped3A_232, %dma_start3A_244, %dma_start3A_245] : memref<2x128x128xf32, #tpu.memory_space<vmem>> -> memref<1x128x128xf32, #tpu.memory_space<vmem>>
        %dma_start3A_247 = tpu.memref_squeeze %dma_start3A_246 : memref<1x128x128xf32, #tpu.memory_space<vmem>> -> memref<128x128xf32, #tpu.memory_space<vmem>>
        %dma_start3A_248 = arith.constant 0 : i32
        %dma_start3A_249 = tpu.memref_slice %arg9[%add3A_231, %dma_start3A_248] : memref<10240x128xf32, #tpu.memory_space<vmem_shared>> -> memref<128x128xf32, #tpu.memory_space<vmem_shared>>
        %dma_start3A_250 = arith.constant 0 : i32
        %dma_start3A_251 = tpu.memref_slice %arg9[%add3A_231, %dma_start3A_250] : memref<10240x128xf32, #tpu.memory_space<vmem_shared>> -> memref<128x128xf32, #tpu.memory_space<vmem_shared>>
        %dma_start3A_252 = arith.constant 0 : i32
        %dma_start3A_253 = arith.constant 0 : i32
        %dma_start3A_254 = tpu.memref_slice %arg8[%run_scoped3A_232, %dma_start3A_252, %dma_start3A_253] : memref<2x128x128xf32, #tpu.memory_space<vmem>> -> memref<1x128x128xf32, #tpu.memory_space<vmem>>
        %dma_start3A_255 = tpu.memref_squeeze %dma_start3A_254 : memref<1x128x128xf32, #tpu.memory_space<vmem>> -> memref<128x128xf32, #tpu.memory_space<vmem>>
        tpu.enqueue_dma source(%dma_start3A_255 : memref<128x128xf32, #tpu.memory_space<vmem>>) target(%dma_start3A_251 : memref<128x128xf32, #tpu.memory_space<vmem_shared>>) target_semaphore(%run_scoped3A_243 : memref<!tpu.dma_semaphore, #tpu.memory_space<semaphore_mem>>)
        %dma_wait3A = arith.constant 0 : i32
        %dma_wait3A_256 = arith.constant 0 : i32
        %dma_wait3A_257 = tpu.memref_slice %arg8[%run_scoped3A_232, %dma_wait3A, %dma_wait3A_256] : memref<2x128x128xf32, #tpu.memory_space<vmem>> -> memref<1x128x128xf32, #tpu.memory_space<vmem>>
        %dma_wait3A_258 = tpu.memref_squeeze %dma_wait3A_257 : memref<1x128x128xf32, #tpu.memory_space<vmem>> -> memref<128x128xf32, #tpu.memory_space<vmem>>
        %dma_wait3A_259 = arith.constant 0 : i32
        %dma_wait3A_260 = tpu.memref_slice %arg9[%add3A_231, %dma_wait3A_259] : memref<10240x128xf32, #tpu.memory_space<vmem_shared>> -> memref<128x128xf32, #tpu.memory_space<vmem_shared>>
        %dma_wait3A_261 = arith.constant 0 : i32
        %dma_wait3A_262 = tpu.memref_slice %arg9[%add3A_231, %dma_wait3A_261] : memref<10240x128xf32, #tpu.memory_space<vmem_shared>> -> memref<128x128xf32, #tpu.memory_space<vmem_shared>>
        %dma_wait3A_263 = arith.constant 0 : i32
        %dma_wait3A_264 = arith.constant 0 : i32
        %dma_wait3A_265 = tpu.memref_slice %arg8[%run_scoped3A_232, %dma_wait3A_263, %dma_wait3A_264] : memref<2x128x128xf32, #tpu.memory_space<vmem>> -> memref<1x128x128xf32, #tpu.memory_space<vmem>>
        %dma_wait3A_266 = tpu.memref_squeeze %dma_wait3A_265 : memref<1x128x128xf32, #tpu.memory_space<vmem>> -> memref<128x128xf32, #tpu.memory_space<vmem>>
        tpu.wait_dma2 semaphore(%run_scoped3A_243 : memref<!tpu.dma_semaphore, #tpu.memory_space<semaphore_mem>>) src(%dma_wait3A_266 : memref<128x128xf32, #tpu.memory_space<vmem>>) dst(%dma_wait3A_262 : memref<128x128xf32, #tpu.memory_space<vmem_shared>>)
        tpu.yield
      }) : () -> ()
      %mul3A_233 = arith.constant 640 : i32
      %mul3A_234 = arith.muli %arg1, %mul3A_233 : i32
      %add3A_235 = arith.constant 384 : i32
      %add3A_236 = arith.addi %mul3A_234, %add3A_235 : i32
      %run_scoped3A_237 = arith.constant 0 : i32
      "tpu.region"() ({
        %run_scoped3A_243 = tpu.sem_alloc : memref<!tpu.dma_semaphore, #tpu.memory_space<semaphore_mem>>
        %dma_start3A_244 = arith.constant 0 : i32
        %dma_start3A_245 = arith.constant 0 : i32
        %dma_start3A_246 = tpu.memref_slice %arg8[%run_scoped3A_237, %dma_start3A_244, %dma_start3A_245] : memref<2x128x128xf32, #tpu.memory_space<vmem>> -> memref<1x128x128xf32, #tpu.memory_space<vmem>>
        %dma_start3A_247 = tpu.memref_squeeze %dma_start3A_246 : memref<1x128x128xf32, #tpu.memory_space<vmem>> -> memref<128x128xf32, #tpu.memory_space<vmem>>
        %dma_start3A_248 = arith.constant 0 : i32
        %dma_start3A_249 = tpu.memref_slice %arg9[%add3A_236, %dma_start3A_248] : memref<10240x128xf32, #tpu.memory_space<vmem_shared>> -> memref<128x128xf32, #tpu.memory_space<vmem_shared>>
        %dma_start3A_250 = arith.constant 0 : i32
        %dma_start3A_251 = tpu.memref_slice %arg9[%add3A_236, %dma_start3A_250] : memref<10240x128xf32, #tpu.memory_space<vmem_shared>> -> memref<128x128xf32, #tpu.memory_space<vmem_shared>>
        %dma_start3A_252 = arith.constant 0 : i32
        %dma_start3A_253 = arith.constant 0 : i32
        %dma_start3A_254 = tpu.memref_slice %arg8[%run_scoped3A_237, %dma_start3A_252, %dma_start3A_253] : memref<2x128x128xf32, #tpu.memory_space<vmem>> -> memref<1x128x128xf32, #tpu.memory_space<vmem>>
        %dma_start3A_255 = tpu.memref_squeeze %dma_start3A_254 : memref<1x128x128xf32, #tpu.memory_space<vmem>> -> memref<128x128xf32, #tpu.memory_space<vmem>>
        tpu.enqueue_dma source(%dma_start3A_255 : memref<128x128xf32, #tpu.memory_space<vmem>>) target(%dma_start3A_251 : memref<128x128xf32, #tpu.memory_space<vmem_shared>>) target_semaphore(%run_scoped3A_243 : memref<!tpu.dma_semaphore, #tpu.memory_space<semaphore_mem>>)
        %dma_wait3A = arith.constant 0 : i32
        %dma_wait3A_256 = arith.constant 0 : i32
        %dma_wait3A_257 = tpu.memref_slice %arg8[%run_scoped3A_237, %dma_wait3A, %dma_wait3A_256] : memref<2x128x128xf32, #tpu.memory_space<vmem>> -> memref<1x128x128xf32, #tpu.memory_space<vmem>>
        %dma_wait3A_258 = tpu.memref_squeeze %dma_wait3A_257 : memref<1x128x128xf32, #tpu.memory_space<vmem>> -> memref<128x128xf32, #tpu.memory_space<vmem>>
        %dma_wait3A_259 = arith.constant 0 : i32
        %dma_wait3A_260 = tpu.memref_slice %arg9[%add3A_236, %dma_wait3A_259] : memref<10240x128xf32, #tpu.memory_space<vmem_shared>> -> memref<128x128xf32, #tpu.memory_space<vmem_shared>>
        %dma_wait3A_261 = arith.constant 0 : i32
        %dma_wait3A_262 = tpu.memref_slice %arg9[%add3A_236, %dma_wait3A_261] : memref<10240x128xf32, #tpu.memory_space<vmem_shared>> -> memref<128x128xf32, #tpu.memory_space<vmem_shared>>
        %dma_wait3A_263 = arith.constant 0 : i32
        %dma_wait3A_264 = arith.constant 0 : i32
        %dma_wait3A_265 = tpu.memref_slice %arg8[%run_scoped3A_237, %dma_wait3A_263, %dma_wait3A_264] : memref<2x128x128xf32, #tpu.memory_space<vmem>> -> memref<1x128x128xf32, #tpu.memory_space<vmem>>
        %dma_wait3A_266 = tpu.memref_squeeze %dma_wait3A_265 : memref<1x128x128xf32, #tpu.memory_space<vmem>> -> memref<128x128xf32, #tpu.memory_space<vmem>>
        tpu.wait_dma2 semaphore(%run_scoped3A_243 : memref<!tpu.dma_semaphore, #tpu.memory_space<semaphore_mem>>) src(%dma_wait3A_266 : memref<128x128xf32, #tpu.memory_space<vmem>>) dst(%dma_wait3A_262 : memref<128x128xf32, #tpu.memory_space<vmem_shared>>)
        tpu.yield
      }) : () -> ()
      %mul3A_238 = arith.constant 640 : i32
      %mul3A_239 = arith.muli %arg1, %mul3A_238 : i32
      %add3A_240 = arith.constant 512 : i32
      %add3A_241 = arith.addi %mul3A_239, %add3A_240 : i32
      %run_scoped3A_242 = arith.constant 0 : i32
      "tpu.region"() ({
        %run_scoped3A_243 = tpu.sem_alloc : memref<!tpu.dma_semaphore, #tpu.memory_space<semaphore_mem>>
        %dma_start3A_244 = arith.constant 0 : i32
        %dma_start3A_245 = arith.constant 0 : i32
        %dma_start3A_246 = tpu.memref_slice %arg8[%run_scoped3A_242, %dma_start3A_244, %dma_start3A_245] : memref<2x128x128xf32, #tpu.memory_space<vmem>> -> memref<1x128x128xf32, #tpu.memory_space<vmem>>
        %dma_start3A_247 = tpu.memref_squeeze %dma_start3A_246 : memref<1x128x128xf32, #tpu.memory_space<vmem>> -> memref<128x128xf32, #tpu.memory_space<vmem>>
        %dma_start3A_248 = arith.constant 0 : i32
        %dma_start3A_249 = tpu.memref_slice %arg9[%add3A_241, %dma_start3A_248] : memref<10240x128xf32, #tpu.memory_space<vmem_shared>> -> memref<128x128xf32, #tpu.memory_space<vmem_shared>>
        %dma_start3A_250 = arith.constant 0 : i32
        %dma_start3A_251 = tpu.memref_slice %arg9[%add3A_241, %dma_start3A_250] : memref<10240x128xf32, #tpu.memory_space<vmem_shared>> -> memref<128x128xf32, #tpu.memory_space<vmem_shared>>
        %dma_start3A_252 = arith.constant 0 : i32
        %dma_start3A_253 = arith.constant 0 : i32
        %dma_start3A_254 = tpu.memref_slice %arg8[%run_scoped3A_242, %dma_start3A_252, %dma_start3A_253] : memref<2x128x128xf32, #tpu.memory_space<vmem>> -> memref<1x128x128xf32, #tpu.memory_space<vmem>>
        %dma_start3A_255 = tpu.memref_squeeze %dma_start3A_254 : memref<1x128x128xf32, #tpu.memory_space<vmem>> -> memref<128x128xf32, #tpu.memory_space<vmem>>
        tpu.enqueue_dma source(%dma_start3A_255 : memref<128x128xf32, #tpu.memory_space<vmem>>) target(%dma_start3A_251 : memref<128x128xf32, #tpu.memory_space<vmem_shared>>) target_semaphore(%run_scoped3A_243 : memref<!tpu.dma_semaphore, #tpu.memory_space<semaphore_mem>>)
        %dma_wait3A = arith.constant 0 : i32
        %dma_wait3A_256 = arith.constant 0 : i32
        %dma_wait3A_257 = tpu.memref_slice %arg8[%run_scoped3A_242, %dma_wait3A, %dma_wait3A_256] : memref<2x128x128xf32, #tpu.memory_space<vmem>> -> memref<1x128x128xf32, #tpu.memory_space<vmem>>
        %dma_wait3A_258 = tpu.memref_squeeze %dma_wait3A_257 : memref<1x128x128xf32, #tpu.memory_space<vmem>> -> memref<128x128xf32, #tpu.memory_space<vmem>>
        %dma_wait3A_259 = arith.constant 0 : i32
        %dma_wait3A_260 = tpu.memref_slice %arg9[%add3A_241, %dma_wait3A_259] : memref<10240x128xf32, #tpu.memory_space<vmem_shared>> -> memref<128x128xf32, #tpu.memory_space<vmem_shared>>
        %dma_wait3A_261 = arith.constant 0 : i32
        %dma_wait3A_262 = tpu.memref_slice %arg9[%add3A_241, %dma_wait3A_261] : memref<10240x128xf32, #tpu.memory_space<vmem_shared>> -> memref<128x128xf32, #tpu.memory_space<vmem_shared>>
        %dma_wait3A_263 = arith.constant 0 : i32
        %dma_wait3A_264 = arith.constant 0 : i32
        %dma_wait3A_265 = tpu.memref_slice %arg8[%run_scoped3A_242, %dma_wait3A_263, %dma_wait3A_264] : memref<2x128x128xf32, #tpu.memory_space<vmem>> -> memref<1x128x128xf32, #tpu.memory_space<vmem>>
        %dma_wait3A_266 = tpu.memref_squeeze %dma_wait3A_265 : memref<1x128x128xf32, #tpu.memory_space<vmem>> -> memref<128x128xf32, #tpu.memory_space<vmem>>
        tpu.wait_dma2 semaphore(%run_scoped3A_243 : memref<!tpu.dma_semaphore, #tpu.memory_space<semaphore_mem>>) src(%dma_wait3A_266 : memref<128x128xf32, #tpu.memory_space<vmem>>) dst(%dma_wait3A_262 : memref<128x128xf32, #tpu.memory_space<vmem_shared>>)
        tpu.yield
      }) : () -> ()
    } else {
    }
    %mul3A_8 = arith.constant 80 : i32
    %mul3A_9 = arith.muli %add3A, %mul3A_8 : i32
    "tpu.region"() ({
      %run_scoped3A = tpu.sem_alloc : memref<!tpu.dma_semaphore, #tpu.memory_space<semaphore_mem>>
      %dma_start3A_212 = arith.constant 0 : i32
      %dma_start3A_213 = tpu.memref_slice %arg2[%mul3A_9, %dma_start3A_212] : memref<2560x128xi32, #tpu.memory_space<hbm>> -> memref<80x128xi32, #tpu.memory_space<hbm>>
      %dma_start3A_214 = arith.constant 0 : i32
      %dma_start3A_215 = tpu.memref_slice %arg2[%mul3A_9, %dma_start3A_214] : memref<2560x128xi32, #tpu.memory_space<hbm>> -> memref<80x128xi32, #tpu.memory_space<hbm>>
      tpu.enqueue_dma source(%dma_start3A_215 : memref<80x128xi32, #tpu.memory_space<hbm>>) target(%arg5 : memref<80x128xi32, #tpu.memory_space<vmem>>) target_semaphore(%run_scoped3A : memref<!tpu.dma_semaphore, #tpu.memory_space<semaphore_mem>>)
      %dma_wait3A = arith.constant 0 : i32
      %dma_wait3A_216 = tpu.memref_slice %arg2[%mul3A_9, %dma_wait3A] : memref<2560x128xi32, #tpu.memory_space<hbm>> -> memref<80x128xi32, #tpu.memory_space<hbm>>
      %dma_wait3A_217 = arith.constant 0 : i32
      %dma_wait3A_218 = tpu.memref_slice %arg2[%mul3A_9, %dma_wait3A_217] : memref<2560x128xi32, #tpu.memory_space<hbm>> -> memref<80x128xi32, #tpu.memory_space<hbm>>
      tpu.wait_dma2 semaphore(%run_scoped3A : memref<!tpu.dma_semaphore, #tpu.memory_space<semaphore_mem>>) src(%dma_wait3A_218 : memref<80x128xi32, #tpu.memory_space<hbm>>) dst(%arg5 : memref<80x128xi32, #tpu.memory_space<vmem>>)
      tpu.yield
    }) : () -> ()
    %barrier3A = arith.constant 0 : index
    tpu.barrier barrier_id(%barrier3A)
    %get3A = arith.constant 0 : i32
    %get3A_10 = arith.index_cast %get3A : i32 to index
    %get3A_11 = arith.constant 0 : index
    %get3A_12 = tpu.vector_load %arg5[%get3A_10, %get3A_11] {strides = array<i32>} : memref<80x128xi32, #tpu.memory_space<vmem>>, vector<1x16xi32>,
    %get3A_13 = vector.shape_cast %get3A_12 : vector<1x16xi32> to vector<16xi32>
    %shift_right_logical3A = arith.constant 15 : i32
    %shift_right_logical3A_14 = vector.broadcast %shift_right_logical3A : i32 to vector<16xi32>
    %shift_right_logical3A_15 = arith.shrui %get3A_13, %shift_right_logical3A_14 : vector<16xi32>
    %swap3A = arith.constant 0 : i32
    %swap3A_16 = arith.index_cast %swap3A : i32 to index
    %swap3A_17 = arith.constant 0 : index
    %swap3A_18 = tpu.vector_load %arg6[%swap3A_16, %swap3A_17] {strides = array<i32>} : memref<2x128xi32, #tpu.memory_space<vmem>>, vector<1x16xi32>,
    %swap3A_19 = vector.shape_cast %swap3A_18 : vector<1x16xi32> to vector<16xi32>
    %swap3A_20 = vector.shape_cast %shift_right_logical3A_15 : vector<16xi32> to vector<1x16xi32>
    tpu.vector_store %arg6[%swap3A_16, %swap3A_17], %swap3A_20 {strides = array<i32>} : memref<2x128xi32, #tpu.memory_space<vmem>>, vector<1x16xi32>,
    %and3A = arith.constant 32767 : i32
    %and3A_21 = vector.broadcast %and3A : i32 to vector<16xi32>
    %and3A_22 = arith.andi %get3A_13, %and3A_21 : vector<16xi32>
    %swap3A_23 = arith.constant 0 : i32
    %swap3A_24 = arith.index_cast %swap3A_23 : i32 to index
    %swap3A_25 = arith.constant 0 : index
    %swap3A_26 = tpu.vector_load %arg7[%swap3A_24, %swap3A_25] {strides = array<i32>} : memref<2x128xi32, #tpu.memory_space<vmem>>, vector<1x16xi32>,
    %swap3A_27 = vector.shape_cast %swap3A_26 : vector<1x16xi32> to vector<16xi32>
    %swap3A_28 = vector.shape_cast %and3A_22 : vector<16xi32> to vector<1x16xi32>
    tpu.vector_store %arg7[%swap3A_24, %swap3A_25], %swap3A_28 {strides = array<i32>} : memref<2x128xi32, #tpu.memory_space<vmem>>, vector<1x16xi32>,
    %get3A_29 = arith.constant 0 : i32
    %get3A_30 = arith.index_cast %get3A_29 : i32 to index
    %get3A_31 = arith.constant 16 : index
    %get3A_32 = tpu.vector_load %arg5[%get3A_30, %get3A_31] {strides = array<i32>} : memref<80x128xi32, #tpu.memory_space<vmem>>, vector<1x16xi32>,
    %get3A_33 = vector.shape_cast %get3A_32 : vector<1x16xi32> to vector<16xi32>
    %shift_right_logical3A_34 = arith.constant 15 : i32
    %shift_right_logical3A_35 = vector.broadcast %shift_right_logical3A_34 : i32 to vector<16xi32>
    %shift_right_logical3A_36 = arith.shrui %get3A_33, %shift_right_logical3A_35 : vector<16xi32>
    %swap3A_37 = arith.constant 0 : i32
    %swap3A_38 = arith.index_cast %swap3A_37 : i32 to index
    %swap3A_39 = arith.constant 16 : index
    %swap3A_40 = tpu.vector_load %arg6[%swap3A_38, %swap3A_39] {strides = array<i32>} : memref<2x128xi32, #tpu.memory_space<vmem>>, vector<1x16xi32>,
    %swap3A_41 = vector.shape_cast %swap3A_40 : vector<1x16xi32> to vector<16xi32>
    %swap3A_42 = vector.shape_cast %shift_right_logical3A_36 : vector<16xi32> to vector<1x16xi32>
    tpu.vector_store %arg6[%swap3A_38, %swap3A_39], %swap3A_42 {strides = array<i32>} : memref<2x128xi32, #tpu.memory_space<vmem>>, vector<1x16xi32>,
    %and3A_43 = arith.constant 32767 : i32
    %and3A_44 = vector.broadcast %and3A_43 : i32 to vector<16xi32>
    %and3A_45 = arith.andi %get3A_33, %and3A_44 : vector<16xi32>
    %swap3A_46 = arith.constant 0 : i32
    %swap3A_47 = arith.index_cast %swap3A_46 : i32 to index
    %swap3A_48 = arith.constant 16 : index
    %swap3A_49 = tpu.vector_load %arg7[%swap3A_47, %swap3A_48] {strides = array<i32>} : memref<2x128xi32, #tpu.memory_space<vmem>>, vector<1x16xi32>,
    %swap3A_50 = vector.shape_cast %swap3A_49 : vector<1x16xi32> to vector<16xi32>
    %swap3A_51 = vector.shape_cast %and3A_45 : vector<16xi32> to vector<1x16xi32>
    tpu.vector_store %arg7[%swap3A_47, %swap3A_48], %swap3A_51 {strides = array<i32>} : memref<2x128xi32, #tpu.memory_space<vmem>>, vector<1x16xi32>,
    %get3A_52 = arith.constant 0 : i32
    %get3A_53 = arith.index_cast %get3A_52 : i32 to index
    %get3A_54 = arith.constant 32 : index
    %get3A_55 = tpu.vector_load %arg5[%get3A_53, %get3A_54] {strides = array<i32>} : memref<80x128xi32, #tpu.memory_space<vmem>>, vector<1x16xi32>,
    %get3A_56 = vector.shape_cast %get3A_55 : vector<1x16xi32> to vector<16xi32>
    %shift_right_logical3A_57 = arith.constant 15 : i32
    %shift_right_logical3A_58 = vector.broadcast %shift_right_logical3A_57 : i32 to vector<16xi32>
    %shift_right_logical3A_59 = arith.shrui %get3A_56, %shift_right_logical3A_58 : vector<16xi32>
    %swap3A_60 = arith.constant 0 : i32
    %swap3A_61 = arith.index_cast %swap3A_60 : i32 to index
    %swap3A_62 = arith.constant 32 : index
    %swap3A_63 = tpu.vector_load %arg6[%swap3A_61, %swap3A_62] {strides = array<i32>} : memref<2x128xi32, #tpu.memory_space<vmem>>, vector<1x16xi32>,
    %swap3A_64 = vector.shape_cast %swap3A_63 : vector<1x16xi32> to vector<16xi32>
    %swap3A_65 = vector.shape_cast %shift_right_logical3A_59 : vector<16xi32> to vector<1x16xi32>
    tpu.vector_store %arg6[%swap3A_61, %swap3A_62], %swap3A_65 {strides = array<i32>} : memref<2x128xi32, #tpu.memory_space<vmem>>, vector<1x16xi32>,
    %and3A_66 = arith.constant 32767 : i32
    %and3A_67 = vector.broadcast %and3A_66 : i32 to vector<16xi32>
    %and3A_68 = arith.andi %get3A_56, %and3A_67 : vector<16xi32>
    %swap3A_69 = arith.constant 0 : i32
    %swap3A_70 = arith.index_cast %swap3A_69 : i32 to index
    %swap3A_71 = arith.constant 32 : index
    %swap3A_72 = tpu.vector_load %arg7[%swap3A_70, %swap3A_71] {strides = array<i32>} : memref<2x128xi32, #tpu.memory_space<vmem>>, vector<1x16xi32>,
    %swap3A_73 = vector.shape_cast %swap3A_72 : vector<1x16xi32> to vector<16xi32>
    %swap3A_74 = vector.shape_cast %and3A_68 : vector<16xi32> to vector<1x16xi32>
    tpu.vector_store %arg7[%swap3A_70, %swap3A_71], %swap3A_74 {strides = array<i32>} : memref<2x128xi32, #tpu.memory_space<vmem>>, vector<1x16xi32>,
    %get3A_75 = arith.constant 0 : i32
    %get3A_76 = arith.index_cast %get3A_75 : i32 to index
    %get3A_77 = arith.constant 48 : index
    %get3A_78 = tpu.vector_load %arg5[%get3A_76, %get3A_77] {strides = array<i32>} : memref<80x128xi32, #tpu.memory_space<vmem>>, vector<1x16xi32>,
    %get3A_79 = vector.shape_cast %get3A_78 : vector<1x16xi32> to vector<16xi32>
    %shift_right_logical3A_80 = arith.constant 15 : i32
    %shift_right_logical3A_81 = vector.broadcast %shift_right_logical3A_80 : i32 to vector<16xi32>
    %shift_right_logical3A_82 = arith.shrui %get3A_79, %shift_right_logical3A_81 : vector<16xi32>
    %swap3A_83 = arith.constant 0 : i32
    %swap3A_84 = arith.index_cast %swap3A_83 : i32 to index
    %swap3A_85 = arith.constant 48 : index
    %swap3A_86 = tpu.vector_load %arg6[%swap3A_84, %swap3A_85] {strides = array<i32>} : memref<2x128xi32, #tpu.memory_space<vmem>>, vector<1x16xi32>,
    %swap3A_87 = vector.shape_cast %swap3A_86 : vector<1x16xi32> to vector<16xi32>
    %swap3A_88 = vector.shape_cast %shift_right_logical3A_82 : vector<16xi32> to vector<1x16xi32>
    tpu.vector_store %arg6[%swap3A_84, %swap3A_85], %swap3A_88 {strides = array<i32>} : memref<2x128xi32, #tpu.memory_space<vmem>>, vector<1x16xi32>,
    %and3A_89 = arith.constant 32767 : i32
    %and3A_90 = vector.broadcast %and3A_89 : i32 to vector<16xi32>
    %and3A_91 = arith.andi %get3A_79, %and3A_90 : vector<16xi32>
    %swap3A_92 = arith.constant 0 : i32
    %swap3A_93 = arith.index_cast %swap3A_92 : i32 to index
    %swap3A_94 = arith.constant 48 : index
    %swap3A_95 = tpu.vector_load %arg7[%swap3A_93, %swap3A_94] {strides = array<i32>} : memref<2x128xi32, #tpu.memory_space<vmem>>, vector<1x16xi32>,
    %swap3A_96 = vector.shape_cast %swap3A_95 : vector<1x16xi32> to vector<16xi32>
    %swap3A_97 = vector.shape_cast %and3A_91 : vector<16xi32> to vector<1x16xi32>
    tpu.vector_store %arg7[%swap3A_93, %swap3A_94], %swap3A_97 {strides = array<i32>} : memref<2x128xi32, #tpu.memory_space<vmem>>, vector<1x16xi32>,
    %get3A_98 = arith.constant 0 : i32
    %get3A_99 = arith.index_cast %get3A_98 : i32 to index
    %get3A_100 = arith.constant 64 : index
    %get3A_101 = tpu.vector_load %arg5[%get3A_99, %get3A_100] {strides = array<i32>} : memref<80x128xi32, #tpu.memory_space<vmem>>, vector<1x16xi32>,
    %get3A_102 = vector.shape_cast %get3A_101 : vector<1x16xi32> to vector<16xi32>
    %shift_right_logical3A_103 = arith.constant 15 : i32
    %shift_right_logical3A_104 = vector.broadcast %shift_right_logical3A_103 : i32 to vector<16xi32>
    %shift_right_logical3A_105 = arith.shrui %get3A_102, %shift_right_logical3A_104 : vector<16xi32>
    %swap3A_106 = arith.constant 0 : i32
    %swap3A_107 = arith.index_cast %swap3A_106 : i32 to index
    %swap3A_108 = arith.constant 64 : index
    %swap3A_109 = tpu.vector_load %arg6[%swap3A_107, %swap3A_108] {strides = array<i32>} : memref<2x128xi32, #tpu.memory_space<vmem>>, vector<1x16xi32>,
    %swap3A_110 = vector.shape_cast %swap3A_109 : vector<1x16xi32> to vector<16xi32>
    %swap3A_111 = vector.shape_cast %shift_right_logical3A_105 : vector<16xi32> to vector<1x16xi32>
    tpu.vector_store %arg6[%swap3A_107, %swap3A_108], %swap3A_111 {strides = array<i32>} : memref<2x128xi32, #tpu.memory_space<vmem>>, vector<1x16xi32>,
    %and3A_112 = arith.constant 32767 : i32
    %and3A_113 = vector.broadcast %and3A_112 : i32 to vector<16xi32>
    %and3A_114 = arith.andi %get3A_102, %and3A_113 : vector<16xi32>
    %swap3A_115 = arith.constant 0 : i32
    %swap3A_116 = arith.index_cast %swap3A_115 : i32 to index
    %swap3A_117 = arith.constant 64 : index
    %swap3A_118 = tpu.vector_load %arg7[%swap3A_116, %swap3A_117] {strides = array<i32>} : memref<2x128xi32, #tpu.memory_space<vmem>>, vector<1x16xi32>,
    %swap3A_119 = vector.shape_cast %swap3A_118 : vector<1x16xi32> to vector<16xi32>
    %swap3A_120 = vector.shape_cast %and3A_114 : vector<16xi32> to vector<1x16xi32>
    tpu.vector_store %arg7[%swap3A_116, %swap3A_117], %swap3A_120 {strides = array<i32>} : memref<2x128xi32, #tpu.memory_space<vmem>>, vector<1x16xi32>,
    %get3A_121 = arith.constant 0 : i32
    %get3A_122 = arith.index_cast %get3A_121 : i32 to index
    %get3A_123 = arith.constant 80 : index
    %get3A_124 = tpu.vector_load %arg5[%get3A_122, %get3A_123] {strides = array<i32>} : memref<80x128xi32, #tpu.memory_space<vmem>>, vector<1x16xi32>,
    %get3A_125 = vector.shape_cast %get3A_124 : vector<1x16xi32> to vector<16xi32>
    %shift_right_logical3A_126 = arith.constant 15 : i32
    %shift_right_logical3A_127 = vector.broadcast %shift_right_logical3A_126 : i32 to vector<16xi32>
    %shift_right_logical3A_128 = arith.shrui %get3A_125, %shift_right_logical3A_127 : vector<16xi32>
    %swap3A_129 = arith.constant 0 : i32
    %swap3A_130 = arith.index_cast %swap3A_129 : i32 to index
    %swap3A_131 = arith.constant 80 : index
    %swap3A_132 = tpu.vector_load %arg6[%swap3A_130, %swap3A_131] {strides = array<i32>} : memref<2x128xi32, #tpu.memory_space<vmem>>, vector<1x16xi32>,
    %swap3A_133 = vector.shape_cast %swap3A_132 : vector<1x16xi32> to vector<16xi32>
    %swap3A_134 = vector.shape_cast %shift_right_logical3A_128 : vector<16xi32> to vector<1x16xi32>
    tpu.vector_store %arg6[%swap3A_130, %swap3A_131], %swap3A_134 {strides = array<i32>} : memref<2x128xi32, #tpu.memory_space<vmem>>, vector<1x16xi32>,
    %and3A_135 = arith.constant 32767 : i32
    %and3A_136 = vector.broadcast %and3A_135 : i32 to vector<16xi32>
    %and3A_137 = arith.andi %get3A_125, %and3A_136 : vector<16xi32>
    %swap3A_138 = arith.constant 0 : i32
    %swap3A_139 = arith.index_cast %swap3A_138 : i32 to index
    %swap3A_140 = arith.constant 80 : index
    %swap3A_141 = tpu.vector_load %arg7[%swap3A_139, %swap3A_140] {strides = array<i32>} : memref<2x128xi32, #tpu.memory_space<vmem>>, vector<1x16xi32>,
    %swap3A_142 = vector.shape_cast %swap3A_141 : vector<1x16xi32> to vector<16xi32>
    %swap3A_143 = vector.shape_cast %and3A_137 : vector<16xi32> to vector<1x16xi32>
    tpu.vector_store %arg7[%swap3A_139, %swap3A_140], %swap3A_143 {strides = array<i32>} : memref<2x128xi32, #tpu.memory_space<vmem>>, vector<1x16xi32>,
    %get3A_144 = arith.constant 0 : i32
    %get3A_145 = arith.index_cast %get3A_144 : i32 to index
    %get3A_146 = arith.constant 96 : index
    %get3A_147 = tpu.vector_load %arg5[%get3A_145, %get3A_146] {strides = array<i32>} : memref<80x128xi32, #tpu.memory_space<vmem>>, vector<1x16xi32>,
    %get3A_148 = vector.shape_cast %get3A_147 : vector<1x16xi32> to vector<16xi32>
    %shift_right_logical3A_149 = arith.constant 15 : i32
    %shift_right_logical3A_150 = vector.broadcast %shift_right_logical3A_149 : i32 to vector<16xi32>
    %shift_right_logical3A_151 = arith.shrui %get3A_148, %shift_right_logical3A_150 : vector<16xi32>
    %swap3A_152 = arith.constant 0 : i32
    %swap3A_153 = arith.index_cast %swap3A_152 : i32 to index
    %swap3A_154 = arith.constant 96 : index
    %swap3A_155 = tpu.vector_load %arg6[%swap3A_153, %swap3A_154] {strides = array<i32>} : memref<2x128xi32, #tpu.memory_space<vmem>>, vector<1x16xi32>,
    %swap3A_156 = vector.shape_cast %swap3A_155 : vector<1x16xi32> to vector<16xi32>
    %swap3A_157 = vector.shape_cast %shift_right_logical3A_151 : vector<16xi32> to vector<1x16xi32>
    tpu.vector_store %arg6[%swap3A_153, %swap3A_154], %swap3A_157 {strides = array<i32>} : memref<2x128xi32, #tpu.memory_space<vmem>>, vector<1x16xi32>,
    %and3A_158 = arith.constant 32767 : i32
    %and3A_159 = vector.broadcast %and3A_158 : i32 to vector<16xi32>
    %and3A_160 = arith.andi %get3A_148, %and3A_159 : vector<16xi32>
    %swap3A_161 = arith.constant 0 : i32
    %swap3A_162 = arith.index_cast %swap3A_161 : i32 to index
    %swap3A_163 = arith.constant 96 : index
    %swap3A_164 = tpu.vector_load %arg7[%swap3A_162, %swap3A_163] {strides = array<i32>} : memref<2x128xi32, #tpu.memory_space<vmem>>, vector<1x16xi32>,
    %swap3A_165 = vector.shape_cast %swap3A_164 : vector<1x16xi32> to vector<16xi32>
    %swap3A_166 = vector.shape_cast %and3A_160 : vector<16xi32> to vector<1x16xi32>
    tpu.vector_store %arg7[%swap3A_162, %swap3A_163], %swap3A_166 {strides = array<i32>} : memref<2x128xi32, #tpu.memory_space<vmem>>, vector<1x16xi32>,
    %get3A_167 = arith.constant 0 : i32
    %get3A_168 = arith.index_cast %get3A_167 : i32 to index
    %get3A_169 = arith.constant 112 : index
    %get3A_170 = tpu.vector_load %arg5[%get3A_168, %get3A_169] {strides = array<i32>} : memref<80x128xi32, #tpu.memory_space<vmem>>, vector<1x16xi32>,
    %get3A_171 = vector.shape_cast %get3A_170 : vector<1x16xi32> to vector<16xi32>
    %shift_right_logical3A_172 = arith.constant 15 : i32
    %shift_right_logical3A_173 = vector.broadcast %shift_right_logical3A_172 : i32 to vector<16xi32>
    %shift_right_logical3A_174 = arith.shrui %get3A_171, %shift_right_logical3A_173 : vector<16xi32>
    %swap3A_175 = arith.constant 0 : i32
    %swap3A_176 = arith.index_cast %swap3A_175 : i32 to index
    %swap3A_177 = arith.constant 112 : index
    %swap3A_178 = tpu.vector_load %arg6[%swap3A_176, %swap3A_177] {strides = array<i32>} : memref<2x128xi32, #tpu.memory_space<vmem>>, vector<1x16xi32>,
    %swap3A_179 = vector.shape_cast %swap3A_178 : vector<1x16xi32> to vector<16xi32>
    %swap3A_180 = vector.shape_cast %shift_right_logical3A_174 : vector<16xi32> to vector<1x16xi32>
    tpu.vector_store %arg6[%swap3A_176, %swap3A_177], %swap3A_180 {strides = array<i32>} : memref<2x128xi32, #tpu.memory_space<vmem>>, vector<1x16xi32>,
    %and3A_181 = arith.constant 32767 : i32
    %and3A_182 = vector.broadcast %and3A_181 : i32 to vector<16xi32>
    %and3A_183 = arith.andi %get3A_171, %and3A_182 : vector<16xi32>
    %swap3A_184 = arith.constant 0 : i32
    %swap3A_185 = arith.index_cast %swap3A_184 : i32 to index
    %swap3A_186 = arith.constant 112 : index
    %swap3A_187 = tpu.vector_load %arg7[%swap3A_185, %swap3A_186] {strides = array<i32>} : memref<2x128xi32, #tpu.memory_space<vmem>>, vector<1x16xi32>,
    %swap3A_188 = vector.shape_cast %swap3A_187 : vector<1x16xi32> to vector<16xi32>
    %swap3A_189 = vector.shape_cast %and3A_183 : vector<16xi32> to vector<1x16xi32>
    tpu.vector_store %arg7[%swap3A_185, %swap3A_186], %swap3A_189 {strides = array<i32>} : memref<2x128xi32, #tpu.memory_space<vmem>>, vector<1x16xi32>,
    %dma_start3A = arith.constant 0 : i32
    %dma_start3A_190 = arith.constant 0 : i32
    %dma_start3A_191 = arith.constant 0 : i32
    %dma_start3A_192 = arith.constant 0 : i32
    %dma_start3A_193 = tpu.memref_slice %arg8[%dma_start3A_190, %dma_start3A_191, %dma_start3A_192] : memref<2x128x128xf32, #tpu.memory_space<vmem>> -> memref<1x128x128xf32, #tpu.memory_space<vmem>>
    %dma_start3A_194 = tpu.memref_squeeze %dma_start3A_193 : memref<1x128x128xf32, #tpu.memory_space<vmem>> -> memref<128x128xf32, #tpu.memory_space<vmem>>
    %dma_start3A_195 = arith.constant 0 : i32
    %dma_start3A_196 = tpu.memref_slice %arg6[%dma_start3A, %dma_start3A_195] : memref<2x128xi32, #tpu.memory_space<vmem>> -> memref<1x128xi32, #tpu.memory_space<vmem>>
    %dma_start3A_197 = tpu.memref_squeeze %dma_start3A_196 : memref<1x128xi32, #tpu.memory_space<vmem>> -> memref<128xi32, #tpu.memory_space<vmem>>
    %dma_start3A_198 = arith.constant 0 : i32
    %dma_start3A_199 = arith.constant 0 : i32
    %dma_start3A_200 = tpu.memref_slice %arg3[%dma_start3A_198, %dma_start3A_199] : memref<10000x128xf32, #tpu.memory_space<hbm>> -> memref<10000x128xf32, #tpu.memory_space<hbm>>
    tpu.enqueue_indirect_dma source(%dma_start3A_200 : memref<10000x128xf32, #tpu.memory_space<hbm>>) target(%dma_start3A_194 : memref<128x128xf32, #tpu.memory_space<vmem>>) offsets(%dma_start3A_197 : memref<128xi32, #tpu.memory_space<vmem>>) semaphore(%arg10 : memref<!tpu.dma_semaphore, #tpu.memory_space<semaphore_mem>>)
    %scan3A = arith.constant 0 : i32
    %scan3A_201 = arith.constant 0 : i32
    %scan3A_202 = arith.constant 40 : i32
    %scan3A_203 = arith.addi %scan3A_201, %scan3A_202 : i32
    %scan3A_204 = arith.constant 1 : i32
    %scan3A_205 = scf.for %scan3A_212 = %scan3A_201 to %scan3A_203 step %scan3A_204 iter_args(%scan3A_213 = %scan3A) -> (i32)  : i32 {
      %mul3A_214 = arith.constant 2 : i32
      %mul3A_215 = arith.muli %mul3A_214, %scan3A_212 : i32
      %add3A_216 = arith.constant 1 : i32
      %add3A_217 = arith.addi %mul3A_215, %add3A_216 : i32
      %get3A_218 = arith.index_cast %add3A_217 : i32 to index
      %get3A_219 = arith.constant 0 : index
      %get3A_220 = tpu.vector_load %arg5[%get3A_218, %get3A_219] {strides = array<i32>} : memref<80x128xi32, #tpu.memory_space<vmem>>, vector<1x16xi32>,
      %get3A_221 = vector.shape_cast %get3A_220 : vector<1x16xi32> to vector<16xi32>
      %shift_right_logical3A_222 = arith.constant 15 : i32
      %shift_right_logical3A_223 = vector.broadcast %shift_right_logical3A_222 : i32 to vector<16xi32>
      %shift_right_logical3A_224 = arith.shrui %get3A_221, %shift_right_logical3A_223 : vector<16xi32>
      %swap3A_225 = arith.constant 1 : i32
      %swap3A_226 = arith.index_cast %swap3A_225 : i32 to index
      %swap3A_227 = arith.constant 0 : index
      %swap3A_228 = tpu.vector_load %arg6[%swap3A_226, %swap3A_227] {strides = array<i32>} : memref<2x128xi32, #tpu.memory_space<vmem>>, vector<1x16xi32>,
      %swap3A_229 = vector.shape_cast %swap3A_228 : vector<1x16xi32> to vector<16xi32>
      %swap3A_230 = vector.shape_cast %shift_right_logical3A_224 : vector<16xi32> to vector<1x16xi32>
      tpu.vector_store %arg6[%swap3A_226, %swap3A_227], %swap3A_230 {strides = array<i32>} : memref<2x128xi32, #tpu.memory_space<vmem>>, vector<1x16xi32>,
      %and3A_231 = arith.constant 32767 : i32
      %and3A_232 = vector.broadcast %and3A_231 : i32 to vector<16xi32>
      %and3A_233 = arith.andi %get3A_221, %and3A_232 : vector<16xi32>
      %swap3A_234 = arith.constant 1 : i32
      %swap3A_235 = arith.index_cast %swap3A_234 : i32 to index
      %swap3A_236 = arith.constant 0 : index
      %swap3A_237 = tpu.vector_load %arg7[%swap3A_235, %swap3A_236] {strides = array<i32>} : memref<2x128xi32, #tpu.memory_space<vmem>>, vector<1x16xi32>,
      %swap3A_238 = vector.shape_cast %swap3A_237 : vector<1x16xi32> to vector<16xi32>
      %swap3A_239 = vector.shape_cast %and3A_233 : vector<16xi32> to vector<1x16xi32>
      tpu.vector_store %arg7[%swap3A_235, %swap3A_236], %swap3A_239 {strides = array<i32>} : memref<2x128xi32, #tpu.memory_space<vmem>>, vector<1x16xi32>,
      %get3A_240 = arith.index_cast %add3A_217 : i32 to index
      %get3A_241 = arith.constant 16 : index
      %get3A_242 = tpu.vector_load %arg5[%get3A_240, %get3A_241] {strides = array<i32>} : memref<80x128xi32, #tpu.memory_space<vmem>>, vector<1x16xi32>,
      %get3A_243 = vector.shape_cast %get3A_242 : vector<1x16xi32> to vector<16xi32>
      %shift_right_logical3A_244 = arith.constant 15 : i32
      %shift_right_logical3A_245 = vector.broadcast %shift_right_logical3A_244 : i32 to vector<16xi32>
      %shift_right_logical3A_246 = arith.shrui %get3A_243, %shift_right_logical3A_245 : vector<16xi32>
      %swap3A_247 = arith.constant 1 : i32
      %swap3A_248 = arith.index_cast %swap3A_247 : i32 to index
      %swap3A_249 = arith.constant 16 : index
      %swap3A_250 = tpu.vector_load %arg6[%swap3A_248, %swap3A_249] {strides = array<i32>} : memref<2x128xi32, #tpu.memory_space<vmem>>, vector<1x16xi32>,
      %swap3A_251 = vector.shape_cast %swap3A_250 : vector<1x16xi32> to vector<16xi32>
      %swap3A_252 = vector.shape_cast %shift_right_logical3A_246 : vector<16xi32> to vector<1x16xi32>
      tpu.vector_store %arg6[%swap3A_248, %swap3A_249], %swap3A_252 {strides = array<i32>} : memref<2x128xi32, #tpu.memory_space<vmem>>, vector<1x16xi32>,
      %and3A_253 = arith.constant 32767 : i32
      %and3A_254 = vector.broadcast %and3A_253 : i32 to vector<16xi32>
      %and3A_255 = arith.andi %get3A_243, %and3A_254 : vector<16xi32>
      %swap3A_256 = arith.constant 1 : i32
      %swap3A_257 = arith.index_cast %swap3A_256 : i32 to index
      %swap3A_258 = arith.constant 16 : index
      %swap3A_259 = tpu.vector_load %arg7[%swap3A_257, %swap3A_258] {strides = array<i32>} : memref<2x128xi32, #tpu.memory_space<vmem>>, vector<1x16xi32>,
      %swap3A_260 = vector.shape_cast %swap3A_259 : vector<1x16xi32> to vector<16xi32>
      %swap3A_261 = vector.shape_cast %and3A_255 : vector<16xi32> to vector<1x16xi32>
      tpu.vector_store %arg7[%swap3A_257, %swap3A_258], %swap3A_261 {strides = array<i32>} : memref<2x128xi32, #tpu.memory_space<vmem>>, vector<1x16xi32>,
      %get3A_262 = arith.index_cast %add3A_217 : i32 to index
      %get3A_263 = arith.constant 32 : index
      %get3A_264 = tpu.vector_load %arg5[%get3A_262, %get3A_263] {strides = array<i32>} : memref<80x128xi32, #tpu.memory_space<vmem>>, vector<1x16xi32>,
      %get3A_265 = vector.shape_cast %get3A_264 : vector<1x16xi32> to vector<16xi32>
      %shift_right_logical3A_266 = arith.constant 15 : i32
      %shift_right_logical3A_267 = vector.broadcast %shift_right_logical3A_266 : i32 to vector<16xi32>
      %shift_right_logical3A_268 = arith.shrui %get3A_265, %shift_right_logical3A_267 : vector<16xi32>
      %swap3A_269 = arith.constant 1 : i32
      %swap3A_270 = arith.index_cast %swap3A_269 : i32 to index
      %swap3A_271 = arith.constant 32 : index
      %swap3A_272 = tpu.vector_load %arg6[%swap3A_270, %swap3A_271] {strides = array<i32>} : memref<2x128xi32, #tpu.memory_space<vmem>>, vector<1x16xi32>,
      %swap3A_273 = vector.shape_cast %swap3A_272 : vector<1x16xi32> to vector<16xi32>
      %swap3A_274 = vector.shape_cast %shift_right_logical3A_268 : vector<16xi32> to vector<1x16xi32>
      tpu.vector_store %arg6[%swap3A_270, %swap3A_271], %swap3A_274 {strides = array<i32>} : memref<2x128xi32, #tpu.memory_space<vmem>>, vector<1x16xi32>,
      %and3A_275 = arith.constant 32767 : i32
      %and3A_276 = vector.broadcast %and3A_275 : i32 to vector<16xi32>
      %and3A_277 = arith.andi %get3A_265, %and3A_276 : vector<16xi32>
      %swap3A_278 = arith.constant 1 : i32
      %swap3A_279 = arith.index_cast %swap3A_278 : i32 to index
      %swap3A_280 = arith.constant 32 : index
      %swap3A_281 = tpu.vector_load %arg7[%swap3A_279, %swap3A_280] {strides = array<i32>} : memref<2x128xi32, #tpu.memory_space<vmem>>, vector<1x16xi32>,
      %swap3A_282 = vector.shape_cast %swap3A_281 : vector<1x16xi32> to vector<16xi32>
      %swap3A_283 = vector.shape_cast %and3A_277 : vector<16xi32> to vector<1x16xi32>
      tpu.vector_store %arg7[%swap3A_279, %swap3A_280], %swap3A_283 {strides = array<i32>} : memref<2x128xi32, #tpu.memory_space<vmem>>, vector<1x16xi32>,
      %get3A_284 = arith.index_cast %add3A_217 : i32 to index
      %get3A_285 = arith.constant 48 : index
      %get3A_286 = tpu.vector_load %arg5[%get3A_284, %get3A_285] {strides = array<i32>} : memref<80x128xi32, #tpu.memory_space<vmem>>, vector<1x16xi32>,
      %get3A_287 = vector.shape_cast %get3A_286 : vector<1x16xi32> to vector<16xi32>
      %shift_right_logical3A_288 = arith.constant 15 : i32
      %shift_right_logical3A_289 = vector.broadcast %shift_right_logical3A_288 : i32 to vector<16xi32>
      %shift_right_logical3A_290 = arith.shrui %get3A_287, %shift_right_logical3A_289 : vector<16xi32>
      %swap3A_291 = arith.constant 1 : i32
      %swap3A_292 = arith.index_cast %swap3A_291 : i32 to index
      %swap3A_293 = arith.constant 48 : index
      %swap3A_294 = tpu.vector_load %arg6[%swap3A_292, %swap3A_293] {strides = array<i32>} : memref<2x128xi32, #tpu.memory_space<vmem>>, vector<1x16xi32>,
      %swap3A_295 = vector.shape_cast %swap3A_294 : vector<1x16xi32> to vector<16xi32>
      %swap3A_296 = vector.shape_cast %shift_right_logical3A_290 : vector<16xi32> to vector<1x16xi32>
      tpu.vector_store %arg6[%swap3A_292, %swap3A_293], %swap3A_296 {strides = array<i32>} : memref<2x128xi32, #tpu.memory_space<vmem>>, vector<1x16xi32>,
      %and3A_297 = arith.constant 32767 : i32
      %and3A_298 = vector.broadcast %and3A_297 : i32 to vector<16xi32>
      %and3A_299 = arith.andi %get3A_287, %and3A_298 : vector<16xi32>
      %swap3A_300 = arith.constant 1 : i32
      %swap3A_301 = arith.index_cast %swap3A_300 : i32 to index
      %swap3A_302 = arith.constant 48 : index
      %swap3A_303 = tpu.vector_load %arg7[%swap3A_301, %swap3A_302] {strides = array<i32>} : memref<2x128xi32, #tpu.memory_space<vmem>>, vector<1x16xi32>,
      %swap3A_304 = vector.shape_cast %swap3A_303 : vector<1x16xi32> to vector<16xi32>
      %swap3A_305 = vector.shape_cast %and3A_299 : vector<16xi32> to vector<1x16xi32>
      tpu.vector_store %arg7[%swap3A_301, %swap3A_302], %swap3A_305 {strides = array<i32>} : memref<2x128xi32, #tpu.memory_space<vmem>>, vector<1x16xi32>,
      %get3A_306 = arith.index_cast %add3A_217 : i32 to index
      %get3A_307 = arith.constant 64 : index
      %get3A_308 = tpu.vector_load %arg5[%get3A_306, %get3A_307] {strides = array<i32>} : memref<80x128xi32, #tpu.memory_space<vmem>>, vector<1x16xi32>,
      %get3A_309 = vector.shape_cast %get3A_308 : vector<1x16xi32> to vector<16xi32>
      %shift_right_logical3A_310 = arith.constant 15 : i32
      %shift_right_logical3A_311 = vector.broadcast %shift_right_logical3A_310 : i32 to vector<16xi32>
      %shift_right_logical3A_312 = arith.shrui %get3A_309, %shift_right_logical3A_311 : vector<16xi32>
      %swap3A_313 = arith.constant 1 : i32
      %swap3A_314 = arith.index_cast %swap3A_313 : i32 to index
      %swap3A_315 = arith.constant 64 : index
      %swap3A_316 = tpu.vector_load %arg6[%swap3A_314, %swap3A_315] {strides = array<i32>} : memref<2x128xi32, #tpu.memory_space<vmem>>, vector<1x16xi32>,
      %swap3A_317 = vector.shape_cast %swap3A_316 : vector<1x16xi32> to vector<16xi32>
      %swap3A_318 = vector.shape_cast %shift_right_logical3A_312 : vector<16xi32> to vector<1x16xi32>
      tpu.vector_store %arg6[%swap3A_314, %swap3A_315], %swap3A_318 {strides = array<i32>} : memref<2x128xi32, #tpu.memory_space<vmem>>, vector<1x16xi32>,
      %and3A_319 = arith.constant 32767 : i32
      %and3A_320 = vector.broadcast %and3A_319 : i32 to vector<16xi32>
      %and3A_321 = arith.andi %get3A_309, %and3A_320 : vector<16xi32>
      %swap3A_322 = arith.constant 1 : i32
      %swap3A_323 = arith.index_cast %swap3A_322 : i32 to index
      %swap3A_324 = arith.constant 64 : index
      %swap3A_325 = tpu.vector_load %arg7[%swap3A_323, %swap3A_324] {strides = array<i32>} : memref<2x128xi32, #tpu.memory_space<vmem>>, vector<1x16xi32>,
      %swap3A_326 = vector.shape_cast %swap3A_325 : vector<1x16xi32> to vector<16xi32>
      %swap3A_327 = vector.shape_cast %and3A_321 : vector<16xi32> to vector<1x16xi32>
      tpu.vector_store %arg7[%swap3A_323, %swap3A_324], %swap3A_327 {strides = array<i32>} : memref<2x128xi32, #tpu.memory_space<vmem>>, vector<1x16xi32>,
      %get3A_328 = arith.index_cast %add3A_217 : i32 to index
      %get3A_329 = arith.constant 80 : index
      %get3A_330 = tpu.vector_load %arg5[%get3A_328, %get3A_329] {strides = array<i32>} : memref<80x128xi32, #tpu.memory_space<vmem>>, vector<1x16xi32>,
      %get3A_331 = vector.shape_cast %get3A_330 : vector<1x16xi32> to vector<16xi32>
      %shift_right_logical3A_332 = arith.constant 15 : i32
      %shift_right_logical3A_333 = vector.broadcast %shift_right_logical3A_332 : i32 to vector<16xi32>
      %shift_right_logical3A_334 = arith.shrui %get3A_331, %shift_right_logical3A_333 : vector<16xi32>
      %swap3A_335 = arith.constant 1 : i32
      %swap3A_336 = arith.index_cast %swap3A_335 : i32 to index
      %swap3A_337 = arith.constant 80 : index
      %swap3A_338 = tpu.vector_load %arg6[%swap3A_336, %swap3A_337] {strides = array<i32>} : memref<2x128xi32, #tpu.memory_space<vmem>>, vector<1x16xi32>,
      %swap3A_339 = vector.shape_cast %swap3A_338 : vector<1x16xi32> to vector<16xi32>
      %swap3A_340 = vector.shape_cast %shift_right_logical3A_334 : vector<16xi32> to vector<1x16xi32>
      tpu.vector_store %arg6[%swap3A_336, %swap3A_337], %swap3A_340 {strides = array<i32>} : memref<2x128xi32, #tpu.memory_space<vmem>>, vector<1x16xi32>,
      %and3A_341 = arith.constant 32767 : i32
      %and3A_342 = vector.broadcast %and3A_341 : i32 to vector<16xi32>
      %and3A_343 = arith.andi %get3A_331, %and3A_342 : vector<16xi32>
      %swap3A_344 = arith.constant 1 : i32
      %swap3A_345 = arith.index_cast %swap3A_344 : i32 to index
      %swap3A_346 = arith.constant 80 : index
      %swap3A_347 = tpu.vector_load %arg7[%swap3A_345, %swap3A_346] {strides = array<i32>} : memref<2x128xi32, #tpu.memory_space<vmem>>, vector<1x16xi32>,
      %swap3A_348 = vector.shape_cast %swap3A_347 : vector<1x16xi32> to vector<16xi32>
      %swap3A_349 = vector.shape_cast %and3A_343 : vector<16xi32> to vector<1x16xi32>
      tpu.vector_store %arg7[%swap3A_345, %swap3A_346], %swap3A_349 {strides = array<i32>} : memref<2x128xi32, #tpu.memory_space<vmem>>, vector<1x16xi32>,
      %get3A_350 = arith.index_cast %add3A_217 : i32 to index
      %get3A_351 = arith.constant 96 : index
      %get3A_352 = tpu.vector_load %arg5[%get3A_350, %get3A_351] {strides = array<i32>} : memref<80x128xi32, #tpu.memory_space<vmem>>, vector<1x16xi32>,
      %get3A_353 = vector.shape_cast %get3A_352 : vector<1x16xi32> to vector<16xi32>
      %shift_right_logical3A_354 = arith.constant 15 : i32
      %shift_right_logical3A_355 = vector.broadcast %shift_right_logical3A_354 : i32 to vector<16xi32>
      %shift_right_logical3A_356 = arith.shrui %get3A_353, %shift_right_logical3A_355 : vector<16xi32>
      %swap3A_357 = arith.constant 1 : i32
      %swap3A_358 = arith.index_cast %swap3A_357 : i32 to index
      %swap3A_359 = arith.constant 96 : index
      %swap3A_360 = tpu.vector_load %arg6[%swap3A_358, %swap3A_359] {strides = array<i32>} : memref<2x128xi32, #tpu.memory_space<vmem>>, vector<1x16xi32>,
      %swap3A_361 = vector.shape_cast %swap3A_360 : vector<1x16xi32> to vector<16xi32>
      %swap3A_362 = vector.shape_cast %shift_right_logical3A_356 : vector<16xi32> to vector<1x16xi32>
      tpu.vector_store %arg6[%swap3A_358, %swap3A_359], %swap3A_362 {strides = array<i32>} : memref<2x128xi32, #tpu.memory_space<vmem>>, vector<1x16xi32>,
      %and3A_363 = arith.constant 32767 : i32
      %and3A_364 = vector.broadcast %and3A_363 : i32 to vector<16xi32>
      %and3A_365 = arith.andi %get3A_353, %and3A_364 : vector<16xi32>
      %swap3A_366 = arith.constant 1 : i32
      %swap3A_367 = arith.index_cast %swap3A_366 : i32 to index
      %swap3A_368 = arith.constant 96 : index
      %swap3A_369 = tpu.vector_load %arg7[%swap3A_367, %swap3A_368] {strides = array<i32>} : memref<2x128xi32, #tpu.memory_space<vmem>>, vector<1x16xi32>,
      %swap3A_370 = vector.shape_cast %swap3A_369 : vector<1x16xi32> to vector<16xi32>
      %swap3A_371 = vector.shape_cast %and3A_365 : vector<16xi32> to vector<1x16xi32>
      tpu.vector_store %arg7[%swap3A_367, %swap3A_368], %swap3A_371 {strides = array<i32>} : memref<2x128xi32, #tpu.memory_space<vmem>>, vector<1x16xi32>,
      %get3A_372 = arith.index_cast %add3A_217 : i32 to index
      %get3A_373 = arith.constant 112 : index
      %get3A_374 = tpu.vector_load %arg5[%get3A_372, %get3A_373] {strides = array<i32>} : memref<80x128xi32, #tpu.memory_space<vmem>>, vector<1x16xi32>,
      %get3A_375 = vector.shape_cast %get3A_374 : vector<1x16xi32> to vector<16xi32>
      %shift_right_logical3A_376 = arith.constant 15 : i32
      %shift_right_logical3A_377 = vector.broadcast %shift_right_logical3A_376 : i32 to vector<16xi32>
      %shift_right_logical3A_378 = arith.shrui %get3A_375, %shift_right_logical3A_377 : vector<16xi32>
      %swap3A_379 = arith.constant 1 : i32
      %swap3A_380 = arith.index_cast %swap3A_379 : i32 to index
      %swap3A_381 = arith.constant 112 : index
      %swap3A_382 = tpu.vector_load %arg6[%swap3A_380, %swap3A_381] {strides = array<i32>} : memref<2x128xi32, #tpu.memory_space<vmem>>, vector<1x16xi32>,
      %swap3A_383 = vector.shape_cast %swap3A_382 : vector<1x16xi32> to vector<16xi32>
      %swap3A_384 = vector.shape_cast %shift_right_logical3A_378 : vector<16xi32> to vector<1x16xi32>
      tpu.vector_store %arg6[%swap3A_380, %swap3A_381], %swap3A_384 {strides = array<i32>} : memref<2x128xi32, #tpu.memory_space<vmem>>, vector<1x16xi32>,
      %and3A_385 = arith.constant 32767 : i32
      %and3A_386 = vector.broadcast %and3A_385 : i32 to vector<16xi32>
      %and3A_387 = arith.andi %get3A_375, %and3A_386 : vector<16xi32>
      %swap3A_388 = arith.constant 1 : i32
      %swap3A_389 = arith.index_cast %swap3A_388 : i32 to index
      %swap3A_390 = arith.constant 112 : index
      %swap3A_391 = tpu.vector_load %arg7[%swap3A_389, %swap3A_390] {strides = array<i32>} : memref<2x128xi32, #tpu.memory_space<vmem>>, vector<1x16xi32>,
      %swap3A_392 = vector.shape_cast %swap3A_391 : vector<1x16xi32> to vector<16xi32>
      %swap3A_393 = vector.shape_cast %and3A_387 : vector<16xi32> to vector<1x16xi32>
      tpu.vector_store %arg7[%swap3A_389, %swap3A_390], %swap3A_393 {strides = array<i32>} : memref<2x128xi32, #tpu.memory_space<vmem>>, vector<1x16xi32>,
      %dma_start3A_394 = arith.constant 1 : i32
      %dma_start3A_395 = arith.constant 1 : i32
      %dma_start3A_396 = arith.constant 0 : i32
      %dma_start3A_397 = arith.constant 0 : i32
      %dma_start3A_398 = tpu.memref_slice %arg8[%dma_start3A_395, %dma_start3A_396, %dma_start3A_397] : memref<2x128x128xf32, #tpu.memory_space<vmem>> -> memref<1x128x128xf32, #tpu.memory_space<vmem>>
      %dma_start3A_399 = tpu.memref_squeeze %dma_start3A_398 : memref<1x128x128xf32, #tpu.memory_space<vmem>> -> memref<128x128xf32, #tpu.memory_space<vmem>>
      %dma_start3A_400 = arith.constant 0 : i32
      %dma_start3A_401 = tpu.memref_slice %arg6[%dma_start3A_394, %dma_start3A_400] : memref<2x128xi32, #tpu.memory_space<vmem>> -> memref<1x128xi32, #tpu.memory_space<vmem>>
      %dma_start3A_402 = tpu.memref_squeeze %dma_start3A_401 : memref<1x128xi32, #tpu.memory_space<vmem>> -> memref<128xi32, #tpu.memory_space<vmem>>
      %dma_start3A_403 = arith.constant 0 : i32
      %dma_start3A_404 = arith.constant 0 : i32
      %dma_start3A_405 = tpu.memref_slice %arg3[%dma_start3A_403, %dma_start3A_404] : memref<10000x128xf32, #tpu.memory_space<hbm>> -> memref<10000x128xf32, #tpu.memory_space<hbm>>
      tpu.enqueue_indirect_dma source(%dma_start3A_405 : memref<10000x128xf32, #tpu.memory_space<hbm>>) target(%dma_start3A_399 : memref<128x128xf32, #tpu.memory_space<vmem>>) offsets(%dma_start3A_402 : memref<128xi32, #tpu.memory_space<vmem>>) semaphore(%arg11 : memref<!tpu.dma_semaphore, #tpu.memory_space<semaphore_mem>>)
      %dma_wait3A = arith.constant 0 : i32
      %dma_wait3A_406 = arith.constant 0 : i32
      %dma_wait3A_407 = arith.constant 0 : i32
      %dma_wait3A_408 = arith.constant 0 : i32
      %dma_wait3A_409 = tpu.memref_slice %arg8[%dma_wait3A_406, %dma_wait3A_407, %dma_wait3A_408] : memref<2x128x128xf32, #tpu.memory_space<vmem>> -> memref<1x128x128xf32, #tpu.memory_space<vmem>>
      %dma_wait3A_410 = tpu.memref_squeeze %dma_wait3A_409 : memref<1x128x128xf32, #tpu.memory_space<vmem>> -> memref<128x128xf32, #tpu.memory_space<vmem>>
      %dma_wait3A_411 = arith.constant 0 : i32
      %dma_wait3A_412 = tpu.memref_slice %arg6[%dma_wait3A, %dma_wait3A_411] : memref<2x128xi32, #tpu.memory_space<vmem>> -> memref<1x128xi32, #tpu.memory_space<vmem>>
      %dma_wait3A_413 = tpu.memref_squeeze %dma_wait3A_412 : memref<1x128xi32, #tpu.memory_space<vmem>> -> memref<128xi32, #tpu.memory_space<vmem>>
      %dma_wait3A_414 = arith.constant 0 : i32
      %dma_wait3A_415 = arith.constant 0 : i32
      %dma_wait3A_416 = tpu.memref_slice %arg3[%dma_wait3A_414, %dma_wait3A_415] : memref<10000x128xf32, #tpu.memory_space<hbm>> -> memref<10000x128xf32, #tpu.memory_space<hbm>>
      tpu.wait_indirect_dma semaphore(%arg10 : memref<!tpu.dma_semaphore, #tpu.memory_space<semaphore_mem>>) src(%dma_wait3A_416 : memref<10000x128xf32, #tpu.memory_space<hbm>>) dst(%dma_wait3A_410 : memref<128x128xf32, #tpu.memory_space<vmem>>)
      %run_scoped3A = arith.constant 0 : i32
      %run_scoped3A_417 = arith.constant 0 : i32
      "tpu.region"() ({
        %run_scoped3A_437 = tpu.sem_alloc : memref<!tpu.dma_semaphore, #tpu.memory_space<semaphore_mem>>
        %dma_start3A_438 = arith.constant 0 : i32
        %dma_start3A_439 = arith.constant 0 : i32
        %dma_start3A_440 = tpu.memref_slice %arg8[%run_scoped3A, %dma_start3A_438, %dma_start3A_439] : memref<2x128x128xf32, #tpu.memory_space<vmem>> -> memref<1x128x128xf32, #tpu.memory_space<vmem>>
        %dma_start3A_441 = tpu.memref_squeeze %dma_start3A_440 : memref<1x128x128xf32, #tpu.memory_space<vmem>> -> memref<128x128xf32, #tpu.memory_space<vmem>>
        %dma_start3A_442 = arith.constant 0 : i32
        %dma_start3A_443 = tpu.memref_slice %arg7[%run_scoped3A_417, %dma_start3A_442] : memref<2x128xi32, #tpu.memory_space<vmem>> -> memref<1x128xi32, #tpu.memory_space<vmem>>
        %dma_start3A_444 = tpu.memref_squeeze %dma_start3A_443 : memref<1x128xi32, #tpu.memory_space<vmem>> -> memref<128xi32, #tpu.memory_space<vmem>>
        %dma_start3A_445 = arith.constant 0 : i32
        %dma_start3A_446 = arith.constant 0 : i32
        %dma_start3A_447 = tpu.memref_slice %arg9[%dma_start3A_445, %dma_start3A_446] : memref<10240x128xf32, #tpu.memory_space<vmem_shared>> -> memref<10240x128xf32, #tpu.memory_space<vmem_shared>>
        tpu.enqueue_indirect_dma source(%dma_start3A_441 : memref<128x128xf32, #tpu.memory_space<vmem>>) target(%dma_start3A_447 : memref<10240x128xf32, #tpu.memory_space<vmem_shared>>) offsets(%dma_start3A_444 : memref<128xi32, #tpu.memory_space<vmem>>) semaphore(%run_scoped3A_437 : memref<!tpu.dma_semaphore, #tpu.memory_space<semaphore_mem>>) {add = true}
        %dma_wait3A_448 = arith.constant 0 : i32
        %dma_wait3A_449 = arith.constant 0 : i32
        %dma_wait3A_450 = tpu.memref_slice %arg8[%run_scoped3A, %dma_wait3A_448, %dma_wait3A_449] : memref<2x128x128xf32, #tpu.memory_space<vmem>> -> memref<1x128x128xf32, #tpu.memory_space<vmem>>
        %dma_wait3A_451 = tpu.memref_squeeze %dma_wait3A_450 : memref<1x128x128xf32, #tpu.memory_space<vmem>> -> memref<128x128xf32, #tpu.memory_space<vmem>>
        %dma_wait3A_452 = arith.constant 0 : i32
        %dma_wait3A_453 = tpu.memref_slice %arg7[%run_scoped3A_417, %dma_wait3A_452] : memref<2x128xi32, #tpu.memory_space<vmem>> -> memref<1x128xi32, #tpu.memory_space<vmem>>
        %dma_wait3A_454 = tpu.memref_squeeze %dma_wait3A_453 : memref<1x128xi32, #tpu.memory_space<vmem>> -> memref<128xi32, #tpu.memory_space<vmem>>
        %dma_wait3A_455 = arith.constant 0 : i32
        %dma_wait3A_456 = arith.constant 0 : i32
        %dma_wait3A_457 = tpu.memref_slice %arg9[%dma_wait3A_455, %dma_wait3A_456] : memref<10240x128xf32, #tpu.memory_space<vmem_shared>> -> memref<10240x128xf32, #tpu.memory_space<vmem_shared>>
        tpu.wait_indirect_dma semaphore(%run_scoped3A_437 : memref<!tpu.dma_semaphore, #tpu.memory_space<semaphore_mem>>) src(%dma_wait3A_451 : memref<128x128xf32, #tpu.memory_space<vmem>>) dst(%dma_wait3A_457 : memref<10240x128xf32, #tpu.memory_space<vmem_shared>>)
        tpu.yield
      }) : () -> ()
      %lt3A = arith.constant 39 : i32
      %lt3A_418 = arith.cmpi slt, %scan3A_212, %lt3A : i32
      %convert_element_type3A_419 = arith.extui %lt3A_418 : i1 to i32
      %cond3A_420 = arith.constant 0 : i32
      %cond3A_421 = arith.cmpi ne, %convert_element_type3A_419, %cond3A_420 : i32
      scf.if %cond3A_421 {
        %add3A_437 = arith.constant 2 : i32
        %add3A_438 = arith.addi %mul3A_215, %add3A_437 : i32
        %get3A_439 = arith.index_cast %add3A_438 : i32 to index
        %get3A_440 = arith.constant 0 : index
        %get3A_441 = tpu.vector_load %arg5[%get3A_439, %get3A_440] {strides = array<i32>} : memref<80x128xi32, #tpu.memory_space<vmem>>, vector<1x16xi32>,
        %get3A_442 = vector.shape_cast %get3A_441 : vector<1x16xi32> to vector<16xi32>
        %shift_right_logical3A_443 = arith.constant 15 : i32
        %shift_right_logical3A_444 = vector.broadcast %shift_right_logical3A_443 : i32 to vector<16xi32>
        %shift_right_logical3A_445 = arith.shrui %get3A_442, %shift_right_logical3A_444 : vector<16xi32>
        %swap3A_446 = arith.constant 0 : i32
        %swap3A_447 = arith.index_cast %swap3A_446 : i32 to index
        %swap3A_448 = arith.constant 0 : index
        %swap3A_449 = tpu.vector_load %arg6[%swap3A_447, %swap3A_448] {strides = array<i32>} : memref<2x128xi32, #tpu.memory_space<vmem>>, vector<1x16xi32>,
        %swap3A_450 = vector.shape_cast %swap3A_449 : vector<1x16xi32> to vector<16xi32>
        %swap3A_451 = vector.shape_cast %shift_right_logical3A_445 : vector<16xi32> to vector<1x16xi32>
        tpu.vector_store %arg6[%swap3A_447, %swap3A_448], %swap3A_451 {strides = array<i32>} : memref<2x128xi32, #tpu.memory_space<vmem>>, vector<1x16xi32>,
        %and3A_452 = arith.constant 32767 : i32
        %and3A_453 = vector.broadcast %and3A_452 : i32 to vector<16xi32>
        %and3A_454 = arith.andi %get3A_442, %and3A_453 : vector<16xi32>
        %swap3A_455 = arith.constant 0 : i32
        %swap3A_456 = arith.index_cast %swap3A_455 : i32 to index
        %swap3A_457 = arith.constant 0 : index
        %swap3A_458 = tpu.vector_load %arg7[%swap3A_456, %swap3A_457] {strides = array<i32>} : memref<2x128xi32, #tpu.memory_space<vmem>>, vector<1x16xi32>,
        %swap3A_459 = vector.shape_cast %swap3A_458 : vector<1x16xi32> to vector<16xi32>
        %swap3A_460 = vector.shape_cast %and3A_454 : vector<16xi32> to vector<1x16xi32>
        tpu.vector_store %arg7[%swap3A_456, %swap3A_457], %swap3A_460 {strides = array<i32>} : memref<2x128xi32, #tpu.memory_space<vmem>>, vector<1x16xi32>,
        %get3A_461 = arith.index_cast %add3A_438 : i32 to index
        %get3A_462 = arith.constant 16 : index
        %get3A_463 = tpu.vector_load %arg5[%get3A_461, %get3A_462] {strides = array<i32>} : memref<80x128xi32, #tpu.memory_space<vmem>>, vector<1x16xi32>,
        %get3A_464 = vector.shape_cast %get3A_463 : vector<1x16xi32> to vector<16xi32>
        %shift_right_logical3A_465 = arith.constant 15 : i32
        %shift_right_logical3A_466 = vector.broadcast %shift_right_logical3A_465 : i32 to vector<16xi32>
        %shift_right_logical3A_467 = arith.shrui %get3A_464, %shift_right_logical3A_466 : vector<16xi32>
        %swap3A_468 = arith.constant 0 : i32
        %swap3A_469 = arith.index_cast %swap3A_468 : i32 to index
        %swap3A_470 = arith.constant 16 : index
        %swap3A_471 = tpu.vector_load %arg6[%swap3A_469, %swap3A_470] {strides = array<i32>} : memref<2x128xi32, #tpu.memory_space<vmem>>, vector<1x16xi32>,
        %swap3A_472 = vector.shape_cast %swap3A_471 : vector<1x16xi32> to vector<16xi32>
        %swap3A_473 = vector.shape_cast %shift_right_logical3A_467 : vector<16xi32> to vector<1x16xi32>
        tpu.vector_store %arg6[%swap3A_469, %swap3A_470], %swap3A_473 {strides = array<i32>} : memref<2x128xi32, #tpu.memory_space<vmem>>, vector<1x16xi32>,
        %and3A_474 = arith.constant 32767 : i32
        %and3A_475 = vector.broadcast %and3A_474 : i32 to vector<16xi32>
        %and3A_476 = arith.andi %get3A_464, %and3A_475 : vector<16xi32>
        %swap3A_477 = arith.constant 0 : i32
        %swap3A_478 = arith.index_cast %swap3A_477 : i32 to index
        %swap3A_479 = arith.constant 16 : index
        %swap3A_480 = tpu.vector_load %arg7[%swap3A_478, %swap3A_479] {strides = array<i32>} : memref<2x128xi32, #tpu.memory_space<vmem>>, vector<1x16xi32>,
        %swap3A_481 = vector.shape_cast %swap3A_480 : vector<1x16xi32> to vector<16xi32>
        %swap3A_482 = vector.shape_cast %and3A_476 : vector<16xi32> to vector<1x16xi32>
        tpu.vector_store %arg7[%swap3A_478, %swap3A_479], %swap3A_482 {strides = array<i32>} : memref<2x128xi32, #tpu.memory_space<vmem>>, vector<1x16xi32>,
        %get3A_483 = arith.index_cast %add3A_438 : i32 to index
        %get3A_484 = arith.constant 32 : index
        %get3A_485 = tpu.vector_load %arg5[%get3A_483, %get3A_484] {strides = array<i32>} : memref<80x128xi32, #tpu.memory_space<vmem>>, vector<1x16xi32>,
        %get3A_486 = vector.shape_cast %get3A_485 : vector<1x16xi32> to vector<16xi32>
        %shift_right_logical3A_487 = arith.constant 15 : i32
        %shift_right_logical3A_488 = vector.broadcast %shift_right_logical3A_487 : i32 to vector<16xi32>
        %shift_right_logical3A_489 = arith.shrui %get3A_486, %shift_right_logical3A_488 : vector<16xi32>
        %swap3A_490 = arith.constant 0 : i32
        %swap3A_491 = arith.index_cast %swap3A_490 : i32 to index
        %swap3A_492 = arith.constant 32 : index
        %swap3A_493 = tpu.vector_load %arg6[%swap3A_491, %swap3A_492] {strides = array<i32>} : memref<2x128xi32, #tpu.memory_space<vmem>>, vector<1x16xi32>,
        %swap3A_494 = vector.shape_cast %swap3A_493 : vector<1x16xi32> to vector<16xi32>
        %swap3A_495 = vector.shape_cast %shift_right_logical3A_489 : vector<16xi32> to vector<1x16xi32>
        tpu.vector_store %arg6[%swap3A_491, %swap3A_492], %swap3A_495 {strides = array<i32>} : memref<2x128xi32, #tpu.memory_space<vmem>>, vector<1x16xi32>,
        %and3A_496 = arith.constant 32767 : i32
        %and3A_497 = vector.broadcast %and3A_496 : i32 to vector<16xi32>
        %and3A_498 = arith.andi %get3A_486, %and3A_497 : vector<16xi32>
        %swap3A_499 = arith.constant 0 : i32
        %swap3A_500 = arith.index_cast %swap3A_499 : i32 to index
        %swap3A_501 = arith.constant 32 : index
        %swap3A_502 = tpu.vector_load %arg7[%swap3A_500, %swap3A_501] {strides = array<i32>} : memref<2x128xi32, #tpu.memory_space<vmem>>, vector<1x16xi32>,
        %swap3A_503 = vector.shape_cast %swap3A_502 : vector<1x16xi32> to vector<16xi32>
        %swap3A_504 = vector.shape_cast %and3A_498 : vector<16xi32> to vector<1x16xi32>
        tpu.vector_store %arg7[%swap3A_500, %swap3A_501], %swap3A_504 {strides = array<i32>} : memref<2x128xi32, #tpu.memory_space<vmem>>, vector<1x16xi32>,
        %get3A_505 = arith.index_cast %add3A_438 : i32 to index
        %get3A_506 = arith.constant 48 : index
        %get3A_507 = tpu.vector_load %arg5[%get3A_505, %get3A_506] {strides = array<i32>} : memref<80x128xi32, #tpu.memory_space<vmem>>, vector<1x16xi32>,
        %get3A_508 = vector.shape_cast %get3A_507 : vector<1x16xi32> to vector<16xi32>
        %shift_right_logical3A_509 = arith.constant 15 : i32
        %shift_right_logical3A_510 = vector.broadcast %shift_right_logical3A_509 : i32 to vector<16xi32>
        %shift_right_logical3A_511 = arith.shrui %get3A_508, %shift_right_logical3A_510 : vector<16xi32>
        %swap3A_512 = arith.constant 0 : i32
        %swap3A_513 = arith.index_cast %swap3A_512 : i32 to index
        %swap3A_514 = arith.constant 48 : index
        %swap3A_515 = tpu.vector_load %arg6[%swap3A_513, %swap3A_514] {strides = array<i32>} : memref<2x128xi32, #tpu.memory_space<vmem>>, vector<1x16xi32>,
        %swap3A_516 = vector.shape_cast %swap3A_515 : vector<1x16xi32> to vector<16xi32>
        %swap3A_517 = vector.shape_cast %shift_right_logical3A_511 : vector<16xi32> to vector<1x16xi32>
        tpu.vector_store %arg6[%swap3A_513, %swap3A_514], %swap3A_517 {strides = array<i32>} : memref<2x128xi32, #tpu.memory_space<vmem>>, vector<1x16xi32>,
        %and3A_518 = arith.constant 32767 : i32
        %and3A_519 = vector.broadcast %and3A_518 : i32 to vector<16xi32>
        %and3A_520 = arith.andi %get3A_508, %and3A_519 : vector<16xi32>
        %swap3A_521 = arith.constant 0 : i32
        %swap3A_522 = arith.index_cast %swap3A_521 : i32 to index
        %swap3A_523 = arith.constant 48 : index
        %swap3A_524 = tpu.vector_load %arg7[%swap3A_522, %swap3A_523] {strides = array<i32>} : memref<2x128xi32, #tpu.memory_space<vmem>>, vector<1x16xi32>,
        %swap3A_525 = vector.shape_cast %swap3A_524 : vector<1x16xi32> to vector<16xi32>
        %swap3A_526 = vector.shape_cast %and3A_520 : vector<16xi32> to vector<1x16xi32>
        tpu.vector_store %arg7[%swap3A_522, %swap3A_523], %swap3A_526 {strides = array<i32>} : memref<2x128xi32, #tpu.memory_space<vmem>>, vector<1x16xi32>,
        %get3A_527 = arith.index_cast %add3A_438 : i32 to index
        %get3A_528 = arith.constant 64 : index
        %get3A_529 = tpu.vector_load %arg5[%get3A_527, %get3A_528] {strides = array<i32>} : memref<80x128xi32, #tpu.memory_space<vmem>>, vector<1x16xi32>,
        %get3A_530 = vector.shape_cast %get3A_529 : vector<1x16xi32> to vector<16xi32>
        %shift_right_logical3A_531 = arith.constant 15 : i32
        %shift_right_logical3A_532 = vector.broadcast %shift_right_logical3A_531 : i32 to vector<16xi32>
        %shift_right_logical3A_533 = arith.shrui %get3A_530, %shift_right_logical3A_532 : vector<16xi32>
        %swap3A_534 = arith.constant 0 : i32
        %swap3A_535 = arith.index_cast %swap3A_534 : i32 to index
        %swap3A_536 = arith.constant 64 : index
        %swap3A_537 = tpu.vector_load %arg6[%swap3A_535, %swap3A_536] {strides = array<i32>} : memref<2x128xi32, #tpu.memory_space<vmem>>, vector<1x16xi32>,
        %swap3A_538 = vector.shape_cast %swap3A_537 : vector<1x16xi32> to vector<16xi32>
        %swap3A_539 = vector.shape_cast %shift_right_logical3A_533 : vector<16xi32> to vector<1x16xi32>
        tpu.vector_store %arg6[%swap3A_535, %swap3A_536], %swap3A_539 {strides = array<i32>} : memref<2x128xi32, #tpu.memory_space<vmem>>, vector<1x16xi32>,
        %and3A_540 = arith.constant 32767 : i32
        %and3A_541 = vector.broadcast %and3A_540 : i32 to vector<16xi32>
        %and3A_542 = arith.andi %get3A_530, %and3A_541 : vector<16xi32>
        %swap3A_543 = arith.constant 0 : i32
        %swap3A_544 = arith.index_cast %swap3A_543 : i32 to index
        %swap3A_545 = arith.constant 64 : index
        %swap3A_546 = tpu.vector_load %arg7[%swap3A_544, %swap3A_545] {strides = array<i32>} : memref<2x128xi32, #tpu.memory_space<vmem>>, vector<1x16xi32>,
        %swap3A_547 = vector.shape_cast %swap3A_546 : vector<1x16xi32> to vector<16xi32>
        %swap3A_548 = vector.shape_cast %and3A_542 : vector<16xi32> to vector<1x16xi32>
        tpu.vector_store %arg7[%swap3A_544, %swap3A_545], %swap3A_548 {strides = array<i32>} : memref<2x128xi32, #tpu.memory_space<vmem>>, vector<1x16xi32>,
        %get3A_549 = arith.index_cast %add3A_438 : i32 to index
        %get3A_550 = arith.constant 80 : index
        %get3A_551 = tpu.vector_load %arg5[%get3A_549, %get3A_550] {strides = array<i32>} : memref<80x128xi32, #tpu.memory_space<vmem>>, vector<1x16xi32>,
        %get3A_552 = vector.shape_cast %get3A_551 : vector<1x16xi32> to vector<16xi32>
        %shift_right_logical3A_553 = arith.constant 15 : i32
        %shift_right_logical3A_554 = vector.broadcast %shift_right_logical3A_553 : i32 to vector<16xi32>
        %shift_right_logical3A_555 = arith.shrui %get3A_552, %shift_right_logical3A_554 : vector<16xi32>
        %swap3A_556 = arith.constant 0 : i32
        %swap3A_557 = arith.index_cast %swap3A_556 : i32 to index
        %swap3A_558 = arith.constant 80 : index
        %swap3A_559 = tpu.vector_load %arg6[%swap3A_557, %swap3A_558] {strides = array<i32>} : memref<2x128xi32, #tpu.memory_space<vmem>>, vector<1x16xi32>,
        %swap3A_560 = vector.shape_cast %swap3A_559 : vector<1x16xi32> to vector<16xi32>
        %swap3A_561 = vector.shape_cast %shift_right_logical3A_555 : vector<16xi32> to vector<1x16xi32>
        tpu.vector_store %arg6[%swap3A_557, %swap3A_558], %swap3A_561 {strides = array<i32>} : memref<2x128xi32, #tpu.memory_space<vmem>>, vector<1x16xi32>,
        %and3A_562 = arith.constant 32767 : i32
        %and3A_563 = vector.broadcast %and3A_562 : i32 to vector<16xi32>
        %and3A_564 = arith.andi %get3A_552, %and3A_563 : vector<16xi32>
        %swap3A_565 = arith.constant 0 : i32
        %swap3A_566 = arith.index_cast %swap3A_565 : i32 to index
        %swap3A_567 = arith.constant 80 : index
        %swap3A_568 = tpu.vector_load %arg7[%swap3A_566, %swap3A_567] {strides = array<i32>} : memref<2x128xi32, #tpu.memory_space<vmem>>, vector<1x16xi32>,
        %swap3A_569 = vector.shape_cast %swap3A_568 : vector<1x16xi32> to vector<16xi32>
        %swap3A_570 = vector.shape_cast %and3A_564 : vector<16xi32> to vector<1x16xi32>
        tpu.vector_store %arg7[%swap3A_566, %swap3A_567], %swap3A_570 {strides = array<i32>} : memref<2x128xi32, #tpu.memory_space<vmem>>, vector<1x16xi32>,
        %get3A_571 = arith.index_cast %add3A_438 : i32 to index
        %get3A_572 = arith.constant 96 : index
        %get3A_573 = tpu.vector_load %arg5[%get3A_571, %get3A_572] {strides = array<i32>} : memref<80x128xi32, #tpu.memory_space<vmem>>, vector<1x16xi32>,
        %get3A_574 = vector.shape_cast %get3A_573 : vector<1x16xi32> to vector<16xi32>
        %shift_right_logical3A_575 = arith.constant 15 : i32
        %shift_right_logical3A_576 = vector.broadcast %shift_right_logical3A_575 : i32 to vector<16xi32>
        %shift_right_logical3A_577 = arith.shrui %get3A_574, %shift_right_logical3A_576 : vector<16xi32>
        %swap3A_578 = arith.constant 0 : i32
        %swap3A_579 = arith.index_cast %swap3A_578 : i32 to index
        %swap3A_580 = arith.constant 96 : index
        %swap3A_581 = tpu.vector_load %arg6[%swap3A_579, %swap3A_580] {strides = array<i32>} : memref<2x128xi32, #tpu.memory_space<vmem>>, vector<1x16xi32>,
        %swap3A_582 = vector.shape_cast %swap3A_581 : vector<1x16xi32> to vector<16xi32>
        %swap3A_583 = vector.shape_cast %shift_right_logical3A_577 : vector<16xi32> to vector<1x16xi32>
        tpu.vector_store %arg6[%swap3A_579, %swap3A_580], %swap3A_583 {strides = array<i32>} : memref<2x128xi32, #tpu.memory_space<vmem>>, vector<1x16xi32>,
        %and3A_584 = arith.constant 32767 : i32
        %and3A_585 = vector.broadcast %and3A_584 : i32 to vector<16xi32>
        %and3A_586 = arith.andi %get3A_574, %and3A_585 : vector<16xi32>
        %swap3A_587 = arith.constant 0 : i32
        %swap3A_588 = arith.index_cast %swap3A_587 : i32 to index
        %swap3A_589 = arith.constant 96 : index
        %swap3A_590 = tpu.vector_load %arg7[%swap3A_588, %swap3A_589] {strides = array<i32>} : memref<2x128xi32, #tpu.memory_space<vmem>>, vector<1x16xi32>,
        %swap3A_591 = vector.shape_cast %swap3A_590 : vector<1x16xi32> to vector<16xi32>
        %swap3A_592 = vector.shape_cast %and3A_586 : vector<16xi32> to vector<1x16xi32>
        tpu.vector_store %arg7[%swap3A_588, %swap3A_589], %swap3A_592 {strides = array<i32>} : memref<2x128xi32, #tpu.memory_space<vmem>>, vector<1x16xi32>,
        %get3A_593 = arith.index_cast %add3A_438 : i32 to index
        %get3A_594 = arith.constant 112 : index
        %get3A_595 = tpu.vector_load %arg5[%get3A_593, %get3A_594] {strides = array<i32>} : memref<80x128xi32, #tpu.memory_space<vmem>>, vector<1x16xi32>,
        %get3A_596 = vector.shape_cast %get3A_595 : vector<1x16xi32> to vector<16xi32>
        %shift_right_logical3A_597 = arith.constant 15 : i32
        %shift_right_logical3A_598 = vector.broadcast %shift_right_logical3A_597 : i32 to vector<16xi32>
        %shift_right_logical3A_599 = arith.shrui %get3A_596, %shift_right_logical3A_598 : vector<16xi32>
        %swap3A_600 = arith.constant 0 : i32
        %swap3A_601 = arith.index_cast %swap3A_600 : i32 to index
        %swap3A_602 = arith.constant 112 : index
        %swap3A_603 = tpu.vector_load %arg6[%swap3A_601, %swap3A_602] {strides = array<i32>} : memref<2x128xi32, #tpu.memory_space<vmem>>, vector<1x16xi32>,
        %swap3A_604 = vector.shape_cast %swap3A_603 : vector<1x16xi32> to vector<16xi32>
        %swap3A_605 = vector.shape_cast %shift_right_logical3A_599 : vector<16xi32> to vector<1x16xi32>
        tpu.vector_store %arg6[%swap3A_601, %swap3A_602], %swap3A_605 {strides = array<i32>} : memref<2x128xi32, #tpu.memory_space<vmem>>, vector<1x16xi32>,
        %and3A_606 = arith.constant 32767 : i32
        %and3A_607 = vector.broadcast %and3A_606 : i32 to vector<16xi32>
        %and3A_608 = arith.andi %get3A_596, %and3A_607 : vector<16xi32>
        %swap3A_609 = arith.constant 0 : i32
        %swap3A_610 = arith.index_cast %swap3A_609 : i32 to index
        %swap3A_611 = arith.constant 112 : index
        %swap3A_612 = tpu.vector_load %arg7[%swap3A_610, %swap3A_611] {strides = array<i32>} : memref<2x128xi32, #tpu.memory_space<vmem>>, vector<1x16xi32>,
        %swap3A_613 = vector.shape_cast %swap3A_612 : vector<1x16xi32> to vector<16xi32>
        %swap3A_614 = vector.shape_cast %and3A_608 : vector<16xi32> to vector<1x16xi32>
        tpu.vector_store %arg7[%swap3A_610, %swap3A_611], %swap3A_614 {strides = array<i32>} : memref<2x128xi32, #tpu.memory_space<vmem>>, vector<1x16xi32>,
        %dma_start3A_615 = arith.constant 0 : i32
        %dma_start3A_616 = arith.constant 0 : i32
        %dma_start3A_617 = arith.constant 0 : i32
        %dma_start3A_618 = arith.constant 0 : i32
        %dma_start3A_619 = tpu.memref_slice %arg8[%dma_start3A_616, %dma_start3A_617, %dma_start3A_618] : memref<2x128x128xf32, #tpu.memory_space<vmem>> -> memref<1x128x128xf32, #tpu.memory_space<vmem>>
        %dma_start3A_620 = tpu.memref_squeeze %dma_start3A_619 : memref<1x128x128xf32, #tpu.memory_space<vmem>> -> memref<128x128xf32, #tpu.memory_space<vmem>>
        %dma_start3A_621 = arith.constant 0 : i32
        %dma_start3A_622 = tpu.memref_slice %arg6[%dma_start3A_615, %dma_start3A_621] : memref<2x128xi32, #tpu.memory_space<vmem>> -> memref<1x128xi32, #tpu.memory_space<vmem>>
        %dma_start3A_623 = tpu.memref_squeeze %dma_start3A_622 : memref<1x128xi32, #tpu.memory_space<vmem>> -> memref<128xi32, #tpu.memory_space<vmem>>
        %dma_start3A_624 = arith.constant 0 : i32
        %dma_start3A_625 = arith.constant 0 : i32
        %dma_start3A_626 = tpu.memref_slice %arg3[%dma_start3A_624, %dma_start3A_625] : memref<10000x128xf32, #tpu.memory_space<hbm>> -> memref<10000x128xf32, #tpu.memory_space<hbm>>
        tpu.enqueue_indirect_dma source(%dma_start3A_626 : memref<10000x128xf32, #tpu.memory_space<hbm>>) target(%dma_start3A_620 : memref<128x128xf32, #tpu.memory_space<vmem>>) offsets(%dma_start3A_623 : memref<128xi32, #tpu.memory_space<vmem>>) semaphore(%arg10 : memref<!tpu.dma_semaphore, #tpu.memory_space<semaphore_mem>>)
      } else {
      }
      %dma_wait3A_422 = arith.constant 1 : i32
      %dma_wait3A_423 = arith.constant 1 : i32
      %dma_wait3A_424 = arith.constant 0 : i32
      %dma_wait3A_425 = arith.constant 0 : i32
      %dma_wait3A_426 = tpu.memref_slice %arg8[%dma_wait3A_423, %dma_wait3A_424, %dma_wait3A_425] : memref<2x128x128xf32, #tpu.memory_space<vmem>> -> memref<1x128x128xf32, #tpu.memory_space<vmem>>
      %dma_wait3A_427 = tpu.memref_squeeze %dma_wait3A_426 : memref<1x128x128xf32, #tpu.memory_space<vmem>> -> memref<128x128xf32, #tpu.memory_space<vmem>>
      %dma_wait3A_428 = arith.constant 0 : i32
      %dma_wait3A_429 = tpu.memref_slice %arg6[%dma_wait3A_422, %dma_wait3A_428] : memref<2x128xi32, #tpu.memory_space<vmem>> -> memref<1x128xi32, #tpu.memory_space<vmem>>
      %dma_wait3A_430 = tpu.memref_squeeze %dma_wait3A_429 : memref<1x128xi32, #tpu.memory_space<vmem>> -> memref<128xi32, #tpu.memory_space<vmem>>
      %dma_wait3A_431 = arith.constant 0 : i32
      %dma_wait3A_432 = arith.constant 0 : i32
      %dma_wait3A_433 = tpu.memref_slice %arg3[%dma_wait3A_431, %dma_wait3A_432] : memref<10000x128xf32, #tpu.memory_space<hbm>> -> memref<10000x128xf32, #tpu.memory_space<hbm>>
      tpu.wait_indirect_dma semaphore(%arg11 : memref<!tpu.dma_semaphore, #tpu.memory_space<semaphore_mem>>) src(%dma_wait3A_433 : memref<10000x128xf32, #tpu.memory_space<hbm>>) dst(%dma_wait3A_427 : memref<128x128xf32, #tpu.memory_space<vmem>>)
      %run_scoped3A_434 = arith.constant 1 : i32
      %run_scoped3A_435 = arith.constant 1 : i32
      "tpu.region"() ({
        %run_scoped3A_437 = tpu.sem_alloc : memref<!tpu.dma_semaphore, #tpu.memory_space<semaphore_mem>>
        %dma_start3A_438 = arith.constant 0 : i32
        %dma_start3A_439 = arith.constant 0 : i32
        %dma_start3A_440 = tpu.memref_slice %arg8[%run_scoped3A_434, %dma_start3A_438, %dma_start3A_439] : memref<2x128x128xf32, #tpu.memory_space<vmem>> -> memref<1x128x128xf32, #tpu.memory_space<vmem>>
        %dma_start3A_441 = tpu.memref_squeeze %dma_start3A_440 : memref<1x128x128xf32, #tpu.memory_space<vmem>> -> memref<128x128xf32, #tpu.memory_space<vmem>>
        %dma_start3A_442 = arith.constant 0 : i32
        %dma_start3A_443 = tpu.memref_slice %arg7[%run_scoped3A_435, %dma_start3A_442] : memref<2x128xi32, #tpu.memory_space<vmem>> -> memref<1x128xi32, #tpu.memory_space<vmem>>
        %dma_start3A_444 = tpu.memref_squeeze %dma_start3A_443 : memref<1x128xi32, #tpu.memory_space<vmem>> -> memref<128xi32, #tpu.memory_space<vmem>>
        %dma_start3A_445 = arith.constant 0 : i32
        %dma_start3A_446 = arith.constant 0 : i32
        %dma_start3A_447 = tpu.memref_slice %arg9[%dma_start3A_445, %dma_start3A_446] : memref<10240x128xf32, #tpu.memory_space<vmem_shared>> -> memref<10240x128xf32, #tpu.memory_space<vmem_shared>>
        tpu.enqueue_indirect_dma source(%dma_start3A_441 : memref<128x128xf32, #tpu.memory_space<vmem>>) target(%dma_start3A_447 : memref<10240x128xf32, #tpu.memory_space<vmem_shared>>) offsets(%dma_start3A_444 : memref<128xi32, #tpu.memory_space<vmem>>) semaphore(%run_scoped3A_437 : memref<!tpu.dma_semaphore, #tpu.memory_space<semaphore_mem>>) {add = true}
        %dma_wait3A_448 = arith.constant 0 : i32
        %dma_wait3A_449 = arith.constant 0 : i32
        %dma_wait3A_450 = tpu.memref_slice %arg8[%run_scoped3A_434, %dma_wait3A_448, %dma_wait3A_449] : memref<2x128x128xf32, #tpu.memory_space<vmem>> -> memref<1x128x128xf32, #tpu.memory_space<vmem>>
        %dma_wait3A_451 = tpu.memref_squeeze %dma_wait3A_450 : memref<1x128x128xf32, #tpu.memory_space<vmem>> -> memref<128x128xf32, #tpu.memory_space<vmem>>
        %dma_wait3A_452 = arith.constant 0 : i32
        %dma_wait3A_453 = tpu.memref_slice %arg7[%run_scoped3A_435, %dma_wait3A_452] : memref<2x128xi32, #tpu.memory_space<vmem>> -> memref<1x128xi32, #tpu.memory_space<vmem>>
        %dma_wait3A_454 = tpu.memref_squeeze %dma_wait3A_453 : memref<1x128xi32, #tpu.memory_space<vmem>> -> memref<128xi32, #tpu.memory_space<vmem>>
        %dma_wait3A_455 = arith.constant 0 : i32
        %dma_wait3A_456 = arith.constant 0 : i32
        %dma_wait3A_457 = tpu.memref_slice %arg9[%dma_wait3A_455, %dma_wait3A_456] : memref<10240x128xf32, #tpu.memory_space<vmem_shared>> -> memref<10240x128xf32, #tpu.memory_space<vmem_shared>>
        tpu.wait_indirect_dma semaphore(%run_scoped3A_437 : memref<!tpu.dma_semaphore, #tpu.memory_space<semaphore_mem>>) src(%dma_wait3A_451 : memref<128x128xf32, #tpu.memory_space<vmem>>) dst(%dma_wait3A_457 : memref<10240x128xf32, #tpu.memory_space<vmem_shared>>)
        tpu.yield
      }) : () -> ()
      %scan3A_436 = arith.constant 0 : i32
      scf.yield %scan3A_436 : i32
    }
    %scan3A_206 = arith.constant 40 : i32
    %barrier3A_207 = arith.constant 0 : index
    tpu.barrier barrier_id(%barrier3A_207)
    %mul3A_208 = arith.constant 640 : i32
    %mul3A_209 = arith.muli %arg1, %mul3A_208 : i32
    %mul3A_210 = arith.constant 640 : i32
    %mul3A_211 = arith.muli %arg1, %mul3A_210 : i32
    "tpu.region"() ({
      %run_scoped3A = tpu.sem_alloc : memref<!tpu.dma_semaphore, #tpu.memory_space<semaphore_mem>>
      %dma_start3A_212 = arith.constant 0 : i32
      %dma_start3A_213 = tpu.memref_slice %arg4[%arg0, %mul3A_211, %dma_start3A_212] : memref<2x10240x128xf32, #tpu.memory_space<hbm>> -> memref<1x640x128xf32, #tpu.memory_space<hbm>>
      %dma_start3A_214 = tpu.memref_squeeze %dma_start3A_213 : memref<1x640x128xf32, #tpu.memory_space<hbm>> -> memref<640x128xf32, #tpu.memory_space<hbm>>
      %dma_start3A_215 = arith.constant 0 : i32
      %dma_start3A_216 = tpu.memref_slice %arg9[%mul3A_209, %dma_start3A_215] : memref<10240x128xf32, #tpu.memory_space<vmem_shared>> -> memref<640x128xf32, #tpu.memory_space<vmem_shared>>
      tpu.enqueue_dma source(%dma_start3A_216 : memref<640x128xf32, #tpu.memory_space<vmem_shared>>) target(%dma_start3A_214 : memref<640x128xf32, #tpu.memory_space<hbm>>) target_semaphore(%run_scoped3A : memref<!tpu.dma_semaphore, #tpu.memory_space<semaphore_mem>>)
      %dma_wait3A = arith.constant 0 : i32
      %dma_wait3A_217 = tpu.memref_slice %arg4[%arg0, %mul3A_211, %dma_wait3A] : memref<2x10240x128xf32, #tpu.memory_space<hbm>> -> memref<1x640x128xf32, #tpu.memory_space<hbm>>
      %dma_wait3A_218 = tpu.memref_squeeze %dma_wait3A_217 : memref<1x640x128xf32, #tpu.memory_space<hbm>> -> memref<640x128xf32, #tpu.memory_space<hbm>>
      %dma_wait3A_219 = arith.constant 0 : i32
      %dma_wait3A_220 = tpu.memref_slice %arg9[%mul3A_209, %dma_wait3A_219] : memref<10240x128xf32, #tpu.memory_space<vmem_shared>> -> memref<640x128xf32, #tpu.memory_space<vmem_shared>>
      tpu.wait_dma2 semaphore(%run_scoped3A : memref<!tpu.dma_semaphore, #tpu.memory_space<semaphore_mem>>) src(%dma_wait3A_220 : memref<640x128xf32, #tpu.memory_space<vmem_shared>>) dst(%dma_wait3A_218 : memref<640x128xf32, #tpu.memory_space<hbm>>)
      tpu.yield
    }) : () -> ()
    return
  }
}

module attributes {stable_mosaic.version = 14 : i64} {
  func.func @_scale_body(%arg0: memref<10000x128xf32, #tpu.memory_space<vmem>>, %arg1: memref<2x10240xf32, #tpu.memory_space<vmem>>, %arg2: memref<10000x128xf32, #tpu.memory_space<vmem>>, %arg3: memref<10000x1xf32, #tpu.memory_space<vmem>>) attributes {dimension_semantics = [], scalar_prefetch = 0 : i64, scratch_operands = 0 : i64, tpu.core_type = #tpu.core_type<tc>} {
    %get3A = arith.constant 0 : index
    %get3A_0 = arith.constant 0 : index
    %get3A_1 = vector.load %arg1[%get3A, %get3A_0] : memref<2x10240xf32, #tpu.memory_space<vmem>>, vector<1x10000xf32>
    %get3A_2 = vector.shape_cast %get3A_1 : vector<1x10000xf32> to vector<10000xf32>
    %get3A_3 = arith.constant 1 : index
    %get3A_4 = arith.constant 0 : index
    %get3A_5 = vector.load %arg1[%get3A_3, %get3A_4] : memref<2x10240xf32, #tpu.memory_space<vmem>>, vector<1x10000xf32>
    %get3A_6 = vector.shape_cast %get3A_5 : vector<1x10000xf32> to vector<10000xf32>
    %add3A = arith.addf %get3A_2, %get3A_6 : vector<10000xf32>
    %add3A_7 = arith.constant 1.000000e+00 : f32
    %add3A_8 = vector.broadcast %add3A_7 : f32 to vector<10000xf32>
    %add3A_9 = arith.addf %add3A, %add3A_8 : vector<10000xf32>
    %rsqrt3A = math.rsqrt %add3A_9 : vector<10000xf32>
    %get3A_10 = arith.constant 0 : index
    %get3A_11 = arith.constant 0 : index
    %get3A_12 = vector.load %arg0[%get3A_10, %get3A_11] : memref<10000x128xf32, #tpu.memory_space<vmem>>, vector<10000x128xf32>
    %broadcast_in_dim3A = vector.shape_cast %rsqrt3A : vector<10000xf32> to vector<10000x1xf32>
    %mul3A = vector.broadcast %broadcast_in_dim3A : vector<10000x1xf32> to vector<10000x128xf32>
    %mul3A_13 = arith.mulf %get3A_12, %mul3A : vector<10000x128xf32>
    %swap3A = arith.constant 0 : index
    %swap3A_14 = arith.constant 0 : index
    %swap3A_15 = vector.load %arg2[%swap3A, %swap3A_14] : memref<10000x128xf32, #tpu.memory_space<vmem>>, vector<10000x128xf32>
    tpu.vector_store %arg2[%swap3A, %swap3A_14], %mul3A_13 {strides = array<i32>} : memref<10000x128xf32, #tpu.memory_space<vmem>>, vector<10000x128xf32>,
    %broadcast_in_dim3A_16 = vector.shape_cast %rsqrt3A : vector<10000xf32> to vector<10000x1xf32>
    %swap3A_17 = arith.constant 0 : index
    %swap3A_18 = arith.constant 0 : index
    %swap3A_19 = vector.load %arg3[%swap3A_17, %swap3A_18] : memref<10000x1xf32, #tpu.memory_space<vmem>>, vector<10000x1xf32>
    tpu.vector_store %arg3[%swap3A_17, %swap3A_18], %broadcast_in_dim3A_16 {strides = array<i32>} : memref<10000x1xf32, #tpu.memory_space<vmem>>, vector<10000x1xf32>,
    return
  }
}

module attributes {stable_mosaic.version = 14 : i64} {
  func.func @_xw_body(%arg0: i32, %arg1: memref<2000x128xf32, #tpu.memory_space<vmem>>, %arg2: memref<128x128xf32, #tpu.memory_space<vmem>>, %arg3: memref<2000x128xf32, #tpu.memory_space<vmem>>) attributes {dimension_semantics = [#tpu.dimension_semantics<arbitrary>], iteration_bounds = array<i64: 5>, scalar_prefetch = 0 : i64, scratch_operands = 0 : i64, tpu.core_type = #tpu.core_type<tc>, window_params = [{transform_indices = @transform_0, window_bounds = array<i64: 2000, 128>}, {pipeline_mode = #tpu.pipeline_mode<synchronous>, transform_indices = @transform_1, window_bounds = array<i64: 128, 128>}, {transform_indices = @transform_2, window_bounds = array<i64: 2000, 128>}]} {
    %get3A = arith.constant 0 : index
    %get3A_0 = arith.constant 0 : index
    %get3A_1 = vector.load %arg1[%get3A, %get3A_0] : memref<2000x128xf32, #tpu.memory_space<vmem>>, vector<2000x128xf32>
    %get3A_2 = arith.constant 0 : index
    %get3A_3 = arith.constant 0 : index
    %get3A_4 = vector.load %arg2[%get3A_2, %get3A_3] : memref<128x128xf32, #tpu.memory_space<vmem>>, vector<128x128xf32>
    %dot_general3A = arith.constant dense<0.000000e+00> : vector<2000x128xf32>
    %dot_general3A_5 = tpu.matmul %get3A_1, %get3A_4, %dot_general3A {dimension_numbers = #tpu.dot_dimension_numbers<[1], [0], [0], [1], [0, 0, 1, 1], [], []>, precision = #tpu.contract_precision<fp32>, transpose_lhs_hint = false} : vector<2000x128xf32>, vector<128x128xf32>, vector<2000x128xf32> -> vector<2000x128xf32>
    %swap3A = arith.constant 0 : index
    %swap3A_6 = arith.constant 0 : index
    %swap3A_7 = vector.load %arg3[%swap3A, %swap3A_6] : memref<2000x128xf32, #tpu.memory_space<vmem>>, vector<2000x128xf32>
    tpu.vector_store %arg3[%swap3A, %swap3A_6], %dot_general3A_5 {strides = array<i32>} : memref<2000x128xf32, #tpu.memory_space<vmem>>, vector<2000x128xf32>,
    return
  }
  func.func @transform_0(%arg0: i32) -> (i32, i32) {
    %c0_i32 = arith.constant 0 : i32
    %c0_i32_0 = arith.constant 0 : i32
    return %arg0, %c0_i32 : i32, i32
  }
  func.func @transform_1(%arg0: i32) -> (i32, i32) {
    %c0_i32 = arith.constant 0 : i32
    %c0_i32_0 = arith.constant 0 : i32
    %c0_i32_1 = arith.constant 0 : i32
    return %c0_i32, %c0_i32_0 : i32, i32
  }
  func.func @transform_2(%arg0: i32) -> (i32, i32) {
    %c0_i32 = arith.constant 0 : i32
    %c0_i32_0 = arith.constant 0 : i32
    return %arg0, %c0_i32 : i32, i32
  }
}

module attributes {stable_mosaic.version = 14 : i64} {
  func.func @_head_body(%arg0: memref<2x10240x128xf32, #tpu.memory_space<vmem>>, %arg1: memref<10000x1xf32, #tpu.memory_space<vmem>>, %arg2: memref<10000x128xf32, #tpu.memory_space<vmem>>, %arg3: memref<128xf32, #tpu.memory_space<vmem>>, %arg4: memref<128x64xf32, #tpu.memory_space<vmem>>, %arg5: memref<64xf32, #tpu.memory_space<vmem>>, %arg6: memref<64x64xf32, #tpu.memory_space<vmem>>, %arg7: memref<64xf32, #tpu.memory_space<vmem>>, %arg8: memref<64x1xf32, #tpu.memory_space<vmem>>, %arg9: memref<1xf32, #tpu.memory_space<vmem>>, %arg10: memref<625xf32, #tpu.memory_space<vmem>>) attributes {dimension_semantics = [], scalar_prefetch = 0 : i64, scratch_operands = 0 : i64, tpu.core_type = #tpu.core_type<tc>} {
    %get3A = arith.constant 0 : index
    %get3A_0 = arith.constant 0 : index
    %get3A_1 = arith.constant 0 : index
    %get3A_2 = vector.load %arg0[%get3A, %get3A_0, %get3A_1] : memref<2x10240x128xf32, #tpu.memory_space<vmem>>, vector<1x10000x128xf32>
    %get3A_3 = vector.shape_cast %get3A_2 : vector<1x10000x128xf32> to vector<10000x128xf32>
    %get3A_4 = arith.constant 1 : index
    %get3A_5 = arith.constant 0 : index
    %get3A_6 = arith.constant 0 : index
    %get3A_7 = vector.load %arg0[%get3A_4, %get3A_5, %get3A_6] : memref<2x10240x128xf32, #tpu.memory_space<vmem>>, vector<1x10000x128xf32>
    %get3A_8 = vector.shape_cast %get3A_7 : vector<1x10000x128xf32> to vector<10000x128xf32>
    %add3A = arith.addf %get3A_3, %get3A_8 : vector<10000x128xf32>
    %get3A_9 = arith.constant 0 : index
    %get3A_10 = arith.constant 0 : index
    %get3A_11 = vector.load %arg1[%get3A_9, %get3A_10] : memref<10000x1xf32, #tpu.memory_space<vmem>>, vector<10000x1xf32>
    %mul3A = vector.broadcast %get3A_11 : vector<10000x1xf32> to vector<10000x128xf32>
    %mul3A_12 = arith.mulf %add3A, %mul3A : vector<10000x128xf32>
    %get3A_13 = arith.constant 0 : index
    %get3A_14 = vector.load %arg3[%get3A_13] : memref<128xf32, #tpu.memory_space<vmem>>, vector<128xf32>
    %broadcast_in_dim3A = vector.shape_cast %get3A_14 : vector<128xf32> to vector<1x128xf32>
    %add3A_15 = vector.broadcast %broadcast_in_dim3A : vector<1x128xf32> to vector<10000x128xf32>
    %add3A_16 = arith.addf %mul3A_12, %add3A_15 : vector<10000x128xf32>
    %max3A = arith.constant 0.000000e+00 : f32
    %max3A_17 = vector.broadcast %max3A : f32 to vector<10000x128xf32>
    %max3A_18 = arith.maximumf %add3A_16, %max3A_17 : vector<10000x128xf32>
    %get3A_19 = arith.constant 0 : index
    %get3A_20 = arith.constant 0 : index
    %get3A_21 = vector.load %arg2[%get3A_19, %get3A_20] : memref<10000x128xf32, #tpu.memory_space<vmem>>, vector<10000x128xf32>
    %add3A_22 = arith.addf %max3A_18, %get3A_21 : vector<10000x128xf32>
    %reshape3A = vector.shape_cast %add3A_22 : vector<10000x128xf32> to vector<625x16x128xf32>
    %reduce_sum3A = arith.constant dense<0.000000e+00> : vector<625x128xf32>
    %reduce_sum3A_23 = vector.multi_reduction <add>, %reshape3A, %reduce_sum3A [1] : vector<625x16x128xf32> to vector<625x128xf32>
    %get3A_24 = arith.constant 0 : index
    %get3A_25 = arith.constant 0 : index
    %get3A_26 = vector.load %arg4[%get3A_24, %get3A_25] : memref<128x64xf32, #tpu.memory_space<vmem>>, vector<128x64xf32>
    %dot_general3A = arith.constant dense<0.000000e+00> : vector<625x64xf32>
    %dot_general3A_27 = tpu.matmul %reduce_sum3A_23, %get3A_26, %dot_general3A {dimension_numbers = #tpu.dot_dimension_numbers<[1], [0], [0], [1], [0, 0, 1, 1], [], []>, precision = #tpu.contract_precision<fp32>, transpose_lhs_hint = false} : vector<625x128xf32>, vector<128x64xf32>, vector<625x64xf32> -> vector<625x64xf32>
    %get3A_28 = arith.constant 0 : index
    %get3A_29 = vector.load %arg5[%get3A_28] : memref<64xf32, #tpu.memory_space<vmem>>, vector<64xf32>
    %broadcast_in_dim3A_30 = vector.shape_cast %get3A_29 : vector<64xf32> to vector<1x64xf32>
    %add3A_31 = vector.broadcast %broadcast_in_dim3A_30 : vector<1x64xf32> to vector<625x64xf32>
    %add3A_32 = arith.addf %dot_general3A_27, %add3A_31 : vector<625x64xf32>
    %max3A_33 = arith.constant 0.000000e+00 : f32
    %max3A_34 = vector.broadcast %max3A_33 : f32 to vector<625x64xf32>
    %max3A_35 = arith.maximumf %add3A_32, %max3A_34 : vector<625x64xf32>
    %get3A_36 = arith.constant 0 : index
    %get3A_37 = arith.constant 0 : index
    %get3A_38 = vector.load %arg6[%get3A_36, %get3A_37] : memref<64x64xf32, #tpu.memory_space<vmem>>, vector<64x64xf32>
    %dot_general3A_39 = arith.constant dense<0.000000e+00> : vector<625x64xf32>
    %dot_general3A_40 = tpu.matmul %max3A_35, %get3A_38, %dot_general3A_39 {dimension_numbers = #tpu.dot_dimension_numbers<[1], [0], [0], [1], [0, 0, 1, 1], [], []>, precision = #tpu.contract_precision<fp32>, transpose_lhs_hint = false} : vector<625x64xf32>, vector<64x64xf32>, vector<625x64xf32> -> vector<625x64xf32>
    %get3A_41 = arith.constant 0 : index
    %get3A_42 = vector.load %arg7[%get3A_41] : memref<64xf32, #tpu.memory_space<vmem>>, vector<64xf32>
    %broadcast_in_dim3A_43 = vector.shape_cast %get3A_42 : vector<64xf32> to vector<1x64xf32>
    %add3A_44 = vector.broadcast %broadcast_in_dim3A_43 : vector<1x64xf32> to vector<625x64xf32>
    %add3A_45 = arith.addf %dot_general3A_40, %add3A_44 : vector<625x64xf32>
    %max3A_46 = arith.constant 0.000000e+00 : f32
    %max3A_47 = vector.broadcast %max3A_46 : f32 to vector<625x64xf32>
    %max3A_48 = arith.maximumf %add3A_45, %max3A_47 : vector<625x64xf32>
    %get3A_49 = arith.constant 0 : index
    %get3A_50 = arith.constant 0 : index
    %get3A_51 = vector.load %arg8[%get3A_49, %get3A_50] : memref<64x1xf32, #tpu.memory_space<vmem>>, vector<64x1xf32>
    %dot_general3A_52 = arith.constant dense<0.000000e+00> : vector<625x1xf32>
    %dot_general3A_53 = tpu.matmul %max3A_48, %get3A_51, %dot_general3A_52 {dimension_numbers = #tpu.dot_dimension_numbers<[1], [0], [0], [1], [0, 0, 1, 1], [], []>, precision = #tpu.contract_precision<fp32>, transpose_lhs_hint = false} : vector<625x64xf32>, vector<64x1xf32>, vector<625x1xf32> -> vector<625x1xf32>
    %squeeze3A = vector.shape_cast %dot_general3A_53 : vector<625x1xf32> to vector<625xf32>
    %get3A_54 = arith.constant 0 : index
    %get3A_55 = vector.load %arg9[%get3A_54] : memref<1xf32, #tpu.memory_space<vmem>>, vector<1xf32>
    %add3A_56 = vector.broadcast %get3A_55 : vector<1xf32> to vector<625xf32>
    %add3A_57 = arith.addf %squeeze3A, %add3A_56 : vector<625xf32>
    %swap3A = arith.constant 0 : index
    %swap3A_58 = vector.load %arg10[%swap3A] : memref<625xf32, #tpu.memory_space<vmem>>, vector<625xf32>
    tpu.vector_store %arg10[%swap3A], %add3A_57 {strides = array<i32>} : memref<625xf32, #tpu.memory_space<vmem>>, vector<625xf32>,
    return
  }
}

</mosaic_0001>

<sc_bundles>
// kernel: kernel.10.cloned.1.call-start
scs
__scs_entry_jumppad:
0x0: {  	(pc) =	sbr.rel $0x88, $3  }
0x1: {  	(tag) =	ssettag $0x0;
	lr =	simm.s32 $0x1  }
0x2: {  	[smem:$0x3F97] =	sst lr;
	_ =	strace $0xD0000000  }
0x3: {  	_ = 	snop  }
0x4: {  	_ = 	snop  }
0x5: {  	_ = 	snop  }
0x6: {  	_ = 	snop  }
0x7: {  	_ = 	snop  }
__scs_overlays_trampoline_lowered:
0x8: {  	[smem:$0x3FA6] =	sst s0  }
0x9: {  	[smem:$0x3FA7] =	sst s1  }
0xa: {  	[smem:$0x3FA8] =	sst s2  }
0xb: {  	[smem:$0x3FA9] =	sst s3  }
0xc: {  	[smem:$0x3FAA] =	sst s4  }
0xd: {  	[smem:$0x3FAB] =	sst s5  }
0xe: {  	[smem:$0x3FAC] =	sst s6  }
0xf: {  	[smem:$0x3FAD] =	sst s7  }
0x10: {  	[smem:$0x3FAE] =	sst s8  }
0x11: {  	[smem:$0x3FAF] =	sst s9;
	s0 =	simm.s32 @!p0 $0x0  }
0x12: {  	s1 =	sld [smem:$0x3F95];
	s0 =	simm.s32 @p0 $0x1  }
0x13: {  	[smem:$0x3FB0] =	sst s0;
	s0 =	simm.s32 @!p1 $0x0  }
0x14: {  	s2 =	sld [smem:$0x3F94];
	s0 =	simm.s32 @p1 $0x1  }
0x15: {  	[smem:$0x3FB1] =	sst s0;
	s0 =	simm.s32 @!p2 $0x0  }
0x16: {  	s3 =	sld [smem:$0x3FDB];
	s0 =	simm.s32 @p2 $0x1  }
0x17: {  	s4 =	simm.s32 $0x1BF5;
	[smem:$0x3FB3] =	sst s0  }
0x18: {  	s0 =	sld [smem:$0x3F96];
	_ =	swait.ge [sflag:s4], $0x0  }
0x19: {  	s7 =	sld [smem:$0x3F97]  }
0x1a: {  	s8 =	sadd.s32 $0xFFFFE003, lr  }
0x1b: {  	s9 =	sadd.s32 $0xFFFFFEF7, lr;
	s5 =	simm.s32 $0xFFFFFFFF;
	p2 =	slt.u32 s8, $0xFFFFF086  }
0x1c: {  	p1 =	slt.u32 s9, $0xF7A;
	s5 =	simm.s32 @!p2 $0x0  }
0x1d: {  	s5 =	simm.s32 @p1 $0x1;
	p0 =	seq.s32 s7, s2  }
0x1e: {  	s7 =	smul.u32 @!p0 $0xF7A, s2;
	p2 =	seq.s32 @!p0 s5, $0x0  }
0x1f: {  	s9 =	smul.u32 $0xF7A, s1;
	s8 =	simm.s32 @!p0 $0x1BF5;
	p2 =	por !p2, p0  }
0x20: {  	[sflag:s8] =	ssyncset.s32 @!p0 $0xFFFFF086;
	s6 =	sadd.s32 @!p0 s3, s7;
	s7 =	simm.s32 @!p0 $0x108  }
0x21: {  	s3 =	sadd.s32 s3, s9;
	s6 =	sadd.s32 @!p0 $0x88, s6;
	s7 =	simm.s32 @p2 $0x1082  }
0x22: {  	[simem:s7], [sflag:s8] =	dma.local @!p0 [hbm:s6], $0xF7A  }
0x23: {  	s9 =	sor.u32 $0xD0000000, s2;
	s6 =	simm.s32 $0x108;
	_ =	swait.ge @!p0 [sflag:s8], $0x0  }
0x24: {  	s3 =	sadd.s32 $0x88, s3;
	s6 =	simm.s32 @!p1 $0x1082;
	[sflag:s4] =	ssyncset.s32 $0xFFFFF086  }
0x25: {  	[simem:s6], [sflag:s4] =	dma.local [hbm:s3], $0xF7A  }
0x26: {  	[smem:$0x3F97] =	sst s1;
	(tag) =	ssettag s2;
	_ =	strace s9  }
0x27: {  	s1 =	sld [smem:$0x3FA7]  }
0x28: {  	s2 =	sld [smem:$0x3FA8]  }
0x29: {  	s4 =	sld [smem:$0x3FAA]  }
0x2a: {  	p0 =	seq.s32 s5, $0x0;
	s5 =	sld [smem:$0x3FAB]  }
0x2b: {  	s6 =	sld [smem:$0x3FAC]  }
0x2c: {  	s7 =	sld [smem:$0x3FAD]  }
0x2d: {  	s3 =	simm.s32 $0x108;
	s8 =	sld [smem:$0x3FAE]  }
0x2e: {  	s3 =	simm.s32 @!p0 $0x1082;
	s9 =	sld [smem:$0x3FAF]  }
0x2f: {  	lr =	sadd.s32 s0, s3;
	s0 =	sld [smem:$0x3FA6]  }
0x30: {  	s3 =	sld [smem:$0x3FA9]  }
0x31: {  	[smem:$0x3FB2] =	sst s10  }
0x32: {  	s10 =	sld [smem:$0x3FB0];
	_ =	sdelay $0x3  }
0x33: {  	p0 =	seq.s32 s10, $0x1;
	s10 =	sld [smem:$0x3FB2];
	_ =	sdelay $0x3  }
0x34: {  	[smem:$0x3FB2] =	sst s10  }
0x35: {  	s10 =	sld [smem:$0x3FB1];
	_ =	sdelay $0x3  }
0x36: {  	p1 =	seq.s32 s10, $0x1;
	s10 =	sld [smem:$0x3FB2];
	_ =	sdelay $0x3  }
0x37: {  	[smem:$0x3FB2] =	sst s10  }
0x38: {  	s10 =	sld [smem:$0x3FB3]  }
0x39: {  	_ = 	snop;
	(pc) =	sbr.ind lr, $3  }
0x3a: {  	_ = 	snop  }
0x3b: {  	_ = 	snop  }
0x3c: {  	p2 =	seq.s32 s10, $0x1;
	s10 =	sld [smem:$0x3FB2]  }
0x3d: {  	_ =	shalt  }
0x3e: {  	_ =	shalt  }
0x3f: {  	_ =	shalt  }
0x40: {  	_ =	shalt  }
0x41: {  	_ =	shalt  }
0x42: {  	_ =	shalt  }
0x43: {  	_ =	shalt  }
0x44: {  	_ =	shalt  }
0x45: {  	_ =	shalt  }
0x46: {  	_ =	shalt  }
0x47: {  	_ =	shalt  }
0x48: {  	_ =	shalt  }
0x49: {  	_ =	shalt  }
0x4a: {  	_ =	shalt  }
0x4b: {  	_ =	shalt  }
0x4c: {  	_ =	shalt  }
0x4d: {  	_ =	shalt  }
0x4e: {  	_ =	shalt  }
0x4f: {  	_ =	shalt  }
0x50: {  	_ =	shalt  }
0x51: {  	_ =	shalt  }
0x52: {  	_ =	shalt  }
0x53: {  	_ =	shalt  }
0x54: {  	_ =	shalt  }
0x55: {  	_ =	shalt  }
0x56: {  	_ =	shalt  }
0x57: {  	_ =	shalt  }
0x58: {  	_ =	shalt  }
0x59: {  	_ =	shalt  }
0x5a: {  	_ =	shalt  }
0x5b: {  	_ =	shalt  }
0x5c: {  	_ =	shalt  }
0x5d: {  	_ =	shalt  }
0x5e: {  	_ =	shalt  }
0x5f: {  	_ =	shalt  }
0x60: {  	_ =	shalt  }
0x61: {  	_ =	shalt  }
0x62: {  	_ =	shalt  }
0x63: {  	_ =	shalt  }
0x64: {  	_ =	shalt  }
0x65: {  	_ =	shalt  }
0x66: {  	_ =	shalt  }
0x67: {  	_ =	shalt  }
0x68: {  	_ =	shalt  }
0x69: {  	_ =	shalt  }
0x6a: {  	_ =	shalt  }
0x6b: {  	_ =	shalt  }
0x6c: {  	_ =	shalt  }
0x6d: {  	_ =	shalt  }
0x6e: {  	_ =	shalt  }
0x6f: {  	_ =	shalt  }
0x70: {  	_ =	shalt  }
0x71: {  	_ =	shalt  }
0x72: {  	_ =	shalt  }
0x73: {  	_ =	shalt  }
0x74: {  	_ =	shalt  }
0x75: {  	_ =	shalt  }
0x76: {  	_ =	shalt  }
0x77: {  	_ =	shalt  }
0x78: {  	_ =	shalt  }
0x79: {  	_ =	shalt  }
0x7a: {  	_ =	shalt  }
0x7b: {  	_ =	shalt  }
0x7c: {  	_ =	shalt  }
0x7d: {  	_ =	shalt  }
0x7e: {  	_ =	shalt  }
0x7f: {  	_ =	shalt  }
0x80: {  	_ =	shalt  }
0x81: {  	_ =	shalt  }
0x82: {  	_ =	shalt  }
0x83: {  	_ =	shalt  }
0x84: {  	_ =	shalt  }
0x85: {  	_ =	shalt  }
0x86: {  	_ =	shalt  }
0x87: {  	_ =	shalt  }
.Lfunc_end0:
.L_simem_size_0:
called_computation.1_lowered:
.L_overlay_start_0:
0x88: {  	s2 =	sld [smem:$0x3FD9]  }
0x89: {  	s3 =	sld [smem:$0x3FFE];
	_ =	sdelay $0x1  }
0x8a: {  	s1 =	srdreg.scid  }
0x8b: {  	s0 =	sand.u32 $0x1, s1  }
0x8c: {  	s16 =	sshll.u32 s0, $0xA;
	s2 =	sadd.s32 s3, s2  }
0x8d: {  	s2 =	sadd.s32 s2, s16  }
0x8e: {  	[smem:$0x3FBE] =	sst s2  }
0x8f: {  	_ = 	snop  }
0x90: {  	(tm) =	ssettm $0x1  }
0x91: {  	s17 =	sld [smem:$0x3FFB];
	_ =	sdelay $0x3  }
0x92: {  	_ =	strace s17  }
0x93: {  	s2 =	sld [smem:$0x3FFC];
	_ =	sdelay $0x3  }
0x94: {  	_ =	strace s2  }
0x95: {  	s2 =	sld [smem:$0x3FFD];
	_ =	sdelay $0x3  }
0x96: {  	_ =	strace s2  }
0x97: {  	_ =	strace $0x8FFFFFFF  }
0x98: {  	s18 =	sld [smem:$0x3FDB];
	_ =	sdelay $0x1  }
0x99: {  	s19 =	simm.s32 $_scs_section_size  }
0x9a: {  	s4 =	simm.s32 $_size__tile_overlayer_lowered;
	s5 =	simm.s32 $_tile_overlayer_lowered  }
0x9b: {  	s22 =	simm.s32 $0x1BFF;
	s21 =	sshll.u32 s5, $0x1;
	s2 =	sadd.s32 s19, s18  }
0x9c: {  	s6 =	simm.s32 $0x0;
	s20 =	sshll.u32 s4, $0x1;
	s4 =	sadd.s32 s21, s2  }
0x9d: {  	[timem:s6], [sflag:s22] =	dma.local [hbm:s4], s20  }
0x9e: {  	_ =	swait.ge [sflag:s22], s20  }
0x9f: {  	s3 =	ssub.s32 $0x0, s20;
	[sflag:s22] =	ssyncset.done $0x0  }
0xa0: {  	[sflag:s22] =	ssyncadd.s32 s3;
	_ =	sdelay $0x1  }
0xa1: {  	s23 =	simm.s32 $0x1B8B  }
0xa2: {  	_ =	swait.ge [sflag:s23], $0x1  }
0xa3: {  	[sflag:s23] =	ssyncset.done $0x0  }
0xa4: {  	s25 =	simm.s32 $0x1B8E;
	s24 =	sld [smem:$0x3FFE];
	[sflag:s23] =	ssyncadd.s32 $0xFFFFFFFF  }
0xa5: {  	s26 =	simm.s32 $execute0_lowered;
	[smem:$0x3FD2] =	sst s25  }
0xa6: {  	s4 =	sshll.u32 s26, $0x1;
	_ =	strace $0x80000049;
	[dreg:$0x1] =	wrdreg $0xFFFFFFFF  }
0xa7: {  	s28 =	simm.s32 $_size_execute0_lowered;
	s2 =	sadd.s32 s2, s4;
	[dreg:$0x0] =	wrdreg $0x0  }
0xa8: {  	s4 =	sshll.u32 s28, $0x1;
	[dreg:$0x2] =	wrdreg s2  }
0xa9: {  	[dreg:$0x3] =	wrdreg s4  }
0xaa: {  	[dreg:$0x4] =	wrdreg $0xC0  }
0xab: {  	_ =	task [dreg:s6], $0x5FFFF  }
0xac: {  	[dreg:$0x1] =	wrdreg $0xFFFFFFFF  }
0xad: {  	[dreg:$0x0] =	wrdreg $0x60  }
0xae: {  	[dreg:$0x2] =	wrdreg s24  }
0xaf: {  	[dreg:$0x3] =	wrdreg $0xAA000  }
0xb0: {  	[dreg:$0x4] =	wrdreg $0x9  }
0xb1: {  	_ =	task.clear_ibuf [dreg:s6], $0x5FFFF;
	_ =	strace $0x90000049  }
0xb2: {  	s29 =	simm.s32 $0x9;
	_ =	strace $0x8000004B  }
0xb3: {  	_ =	swait.ge [sflag:s29], $0x1  }
0xb4: {  	[sflag:s29] =	ssyncadd.s32 $0xFFFFFFFF  }
0xb5: {  	_ =	strace $0x9000004B  }
0xb6: {  	_ =	sfence  }
0xb7: {  	s30 =	sld [smem:$0x0];
	_ =	sdelay $0x2  }
0xb8: {  	s31 =	sshll.u32 s1, $0xD;
	s1 =	sshrl.u32 s1, $0x2  }
0xb9: {  	s3 =	sand.u32 $0x4000, s31;
	s1 =	sadd.s32 s1, s30  }
0xba: {  	s0 =	sor.u32 s3, s0;
	s1 =	sshll.u32 s1, $0x11  }
0xbb: {  	s0 =	sor.u32 s1, s0  }
0xbc: {  	s0 =	sadd.s32 $0x8F2B, s0  }
0xbd: {  	[sflag:s0] =	ssyncadd.remote.s32 $0x1  }
0xbe: {  	_ =	sfence.sel $0xFFFF  }
0xbf: {  	[dreg:$0x0] =	wrdreg $0xFFFFFFFF;
	(pc) =	sbr.abs _section_cstart, $3  }
0xc0: {  	[dreg:$0x1] =	wrdreg $0xFFFFFFFF  }
0xc1: {  	_ =	task.clear_ibuf [dreg:s6], $0x2FFFF;
	_ =	strace $0x9FFFFFFF  }
0xc2: {  	(tm) =	ssettm $0x7FFFFFFF  }
0xc3: {  	_ =	shalt  }
tec
execute0_lowered:
.L_overlay_start_1:
0x0: {  	(tag) =	ssettag $0x1  }
0x1: {  	s0 =	srdreg.scid  }
0x2: {  	s3 =	rddreg [dreg:$0x0];
	s6 =	simm.s32 $0x0;
	s15 =	simm.s32 $0x2A00  }
0x3: {  	s16 =	simm.s32 $0x3;
	s17 =	simm.s32 $0x80;
	s19 =	simm.s32 $0x2880  }
0x4: {  	s20 =	simm.s32 $0x6A00;
	s21 =	simm.s32 $0x1;
	s1 =	sand.u32 $0x1, s0  }
0x5: {  	s22 =	simm.s32 $0x2900;
	s0 =	stileid.u32;
	s5 =	smul.u32 $0x140000, s1  }
0x6: {  	s23 =	simm.s32 $0x2;
	s28 =	simm.s32 $0x0;
	s25 =	smul.u32 $0x14000, s0  }
0x7: {  	[smem:$0x7FF] =	sst s6;
	s6 =	sadd.s32 $0x30500, s3;
	s26 =	smul.u32 $0x4E000, s0  }
0x8: {  	s2 =	sshll.u32 s1, $0x4;
	s7 =	ssub.s32 $0x2, s1;
	s8 =	smul.u32 $0x2700, s0  }
0x9: {  	s9 =	smul.u32 $0x50000, s0;
	p0 =	seq.s32 s1, $0x1;
	p1 =	seq.s32 s0, $0xF  }
0xa: {  	s4 =	sor.u32 s0, s2;
	s2 =	rddreg [dreg:$0x1];
	_ =	strace $0x8000004A  }
0xb: {  	s29 =	sshrl.u32 s7, $0x1;
	s4 =	smul.u32 $0x500, s4;
	s5 =	sadd.s32 s25, s5  }
0xc: {  	s14 =	ssub.s32 s7, s29;
	s30 =	sshrl.u32 s26, $0x2;
	s31 =	sshrl.u32 s9, $0x2  }
0xd: {  	s18 =	sadd.s32 $0x124800, s2;
	s26 =	simm.s32 $0x2980;
	s5 =	sshrl.u32 s5, $0x3  }
0xe: {  	s1 =	sadd.s32 s30, s2;
	s7 =	sadd.s32 s31, s2;
	s14 =	smax.u32 s14, $0x1  }
0xf: {  	s24 =	sshrl.u32 @p1 s18, $0x3;
	s12 =	sadd.s32 s4, s3;
	s4 =	sadd.s32 $0xBC00, s3  }
0x10: {  	s13 =	sadd.s32 s5, s3;
	s9 =	sadd.s32 $0x8000, s7;
	s10 =	sadd.s32 $0xC000, s7  }
0x11: {  	s11 =	sadd.s32 $0x10000, s7;
	s25 =	sshrl.u32 @!p1 s1, $0x3;
	s5 =	sadd.s32 s4, s8  }
0x12: {  	v0 =	vimm.f32 $0.0e+00;
	s8 =	sadd.s32 $0x4000, s7;
	s12 =	sadd.s32 $0x1C00, s12;
	s13 =	sadd.s32 $0x32E00, s13  }
.LBB2_1:
.Ltmp0:
0x13: {  	(pc) =	sbr.rel @!p0 .LBB2_2-.Ltmp0, $1  }
0x14: {  	_ =	sdelay $0x3  }
0x15: {  	s3 =	simm.s32 $0x0  }
0x16: {  	s1 =	sshra.s32 s3, $0x2;
	s3 =	sadd.s32 $0x200, s3  }
.LBB2_4:
0x17: {  	p2 =	sne.s32 s3, $0xFE00;
	[tilespmem:s1+$0x2A70] =	vst v0  }
0x18: {  	[tilespmem:s1+$0x2A00] =	vst v0  }
0x19: {  	[tilespmem:s1+$0x2A10] =	vst v0  }
.Ltmp1:
0x1a: {  	[tilespmem:s1+$0x2A20] =	vst v0;
	(pc) =	sbr.rel @p2 .LBB2_4-.Ltmp1, $4  }
0x1b: {  	[tilespmem:s1+$0x2A30] =	vst v0  }
0x1c: {  	[tilespmem:s1+$0x2A40] =	vst v0  }
0x1d: {  	[tilespmem:s1+$0x2A50] =	vst v0  }
0x1e: {  	[tilespmem:s1+$0x2A60] =	vst v0;
	s1 =	sshra.s32 s3, $0x2;
	s3 =	sadd.s32 $0x200, s3  }
0x1f: {  	[tilespmem:s1+$0x2A70] =	vst v0  }
0x20: {  	[tilespmem:s1+$0x2A00] =	vst v0  }
0x21: {  	[tilespmem:s1+$0x2A10] =	vst v0  }
0x22: {  	[tilespmem:s1+$0x2A20] =	vst v0  }
0x23: {  	[tilespmem:s1+$0x2A30] =	vst v0  }
0x24: {  	[tilespmem:s1+$0x2A40] =	vst v0  }
0x25: {  	[tilespmem:s1+$0x2A50] =	vst v0  }
0x26: {  	[tilespmem:s1+$0x2A60] =	vst v0  }
0x27: {  	[spmem:s7] =	stream.linear.scatter [tilespmem:s15], [sflag:$0x3], $0x4000, $0x38;
	[tilespmem:$0x1EA00] =	vst v63  }
0x28: {  	_ =	swait.ge [sflag:s16], $0x4000  }
0x29: {  	[sflag:s16] =	ssyncset.done $0x0  }
0x2a: {  	[sflag:s16] =	ssyncadd.s32 $0xFFFFC000  }
0x2b: {  	[spmem:s8] =	stream.linear.scatter [tilespmem:s15], [sflag:$0x3], $0x4000, $0x38;
	[tilespmem:$0x1EA00] =	vst v63  }
0x2c: {  	_ =	swait.ge [sflag:s16], $0x4000  }
0x2d: {  	[sflag:s16] =	ssyncset.done $0x0  }
0x2e: {  	[sflag:s16] =	ssyncadd.s32 $0xFFFFC000  }
0x2f: {  	[spmem:s9] =	stream.linear.scatter [tilespmem:s15], [sflag:$0x3], $0x4000, $0x38;
	[tilespmem:$0x1EA00] =	vst v63  }
0x30: {  	_ =	swait.ge [sflag:s16], $0x4000  }
0x31: {  	[sflag:s16] =	ssyncset.done $0x0  }
0x32: {  	[sflag:s16] =	ssyncadd.s32 $0xFFFFC000  }
0x33: {  	[spmem:s10] =	stream.linear.scatter [tilespmem:s15], [sflag:$0x3], $0x4000, $0x38;
	[tilespmem:$0x1EA00] =	vst v63  }
0x34: {  	_ =	swait.ge [sflag:s16], $0x4000  }
0x35: {  	[sflag:s16] =	ssyncset.done $0x0  }
.Ltmp2:
0x36: {  	[sflag:s16] =	ssyncadd.s32 $0xFFFFC000;
	(pc) =	sbr.rel .LBB2_6-.Ltmp2, $4  }
0x37: {  	[spmem:s11] =	stream.linear.scatter [tilespmem:s15], [sflag:$0x3], $0x4000, $0x38;
	[tilespmem:$0x1EA00] =	vst v63  }
0x38: {  	_ =	swait.ge [sflag:s16], $0x4000  }
0x39: {  	[sflag:s16] =	ssyncset.done $0x0  }
0x3a: {  	[sflag:s16] =	ssyncadd.s32 $0xFFFFC000  }
.LBB2_2:
0x3b: {  	s1 =	simm.s32 @p1 $0x1FC3  }
0x3c: {  	[spmem:s24], [sflag:s1] =	dma.local @p1 [hbm:s6], $0x2800  }
0x3d: {  	s1 =	simm.s32 @p1 $0x3  }
0x3e: {  	_ =	swait.ge @p1 [sflag:s1], $0x2800  }
0x3f: {  	s3 =	sshll.u32 @!p1 s0, $0x6;
	[sflag:s1] =	ssyncset.done @p1 $0x0  }
0x40: {  	[sflag:s1] =	ssyncadd.s32 @p1 $0xFFFFD800;
	s1 =	sor.u32 @!p1 $0x1C03, s3  }
0x41: {  	[spmem:s25], [sflag:s1] =	dma.local @!p1 [hbm:s5], $0x2700  }
0x42: {  	s1 =	simm.s32 @!p1 $0x3  }
0x43: {  	_ =	swait.ge @!p1 [sflag:s1], $0x2700  }
0x44: {  	[sflag:s1] =	ssyncset.done @!p1 $0x0  }
0x45: {  	[sflag:s1] =	ssyncadd.s32 @!p1 $0xFFFFD900  }
.LBB2_6:
0x46: {  	s1 =	simm.s32 $0x0  }
0x47: {  	[tilespmem:s1], [sflag:$0x3] =	stream.linear.gather [hbm4b:s12+s1], $0x2800, $0x38;
	[tilespmem:$0x1EA00] =	vst v63  }
0x48: {  	_ =	swait.ge [sflag:s16], $0x2800  }
0x49: {  	[sflag:s16] =	ssyncset.done $0x0  }
0x4a: {  	[sflag:s16] =	ssyncadd.s32 $0xFFFFD800  }
0x4b: {  	[bflag:$0x0] =	sbarrier.arrive $0xFFFF  }
0x4c: {  	v1 =	vld [tilespmem:$0x0];
	_ =	sdelay $0x1  }
0x4d: {  	v2 =	vld [tilespmem:$0x10];
	_ =	sdelay $0x1  }
0x4e: {  	v3 =	vld [tilespmem:$0x20]  }
0x4f: {  	v4 =	vshrl.u32 v1, $0xF  }
0x50: {  	v62 =	vld [tilespmem:$0x30];
	v1 =	vand.u32 $0x7FFF, v1;
	[tilespmem:$0x2800] =	vst v4  }
0x51: {  	[tilespmem:$0x2900] =	vst v1;
	v1 =	vshrl.u32 v2, $0xF  }
0x52: {  	[tilespmem:$0x2810] =	vst v1;
	v1 =	vand.u32 $0x7FFF, v2;
	v2 =	vld [tilespmem:$0x40]  }
0x53: {  	[tilespmem:$0x2910] =	vst v1;
	v1 =	vshrl.u32 v3, $0xF  }
0x54: {  	[tilespmem:$0x2820] =	vst v1;
	v1 =	vand.u32 $0x7FFF, v3;
	v3 =	vld [tilespmem:$0x50]  }
0x55: {  	[tilespmem:$0x2920] =	vst v1;
	v1 =	vshrl.u32 v62, $0xF  }
0x56: {  	v63 =	vld [tilespmem:$0x60];
	[tilespmem:$0x2830] =	vst v1;
	v1 =	vand.u32 $0x7FFF, v62  }
0x57: {  	[tilespmem:$0x2930] =	vst v1;
	v1 =	vshrl.u32 v2, $0xF  }
0x58: {  	[tilespmem:$0x2840] =	vst v1;
	v1 =	vand.u32 $0x7FFF, v2;
	v2 =	vld [tilespmem:$0x70]  }
0x59: {  	[tilespmem:$0x2940] =	vst v1;
	v1 =	vshrl.u32 v3, $0xF  }
0x5a: {  	[tilespmem:$0x2850] =	vst v1;
	v1 =	vand.u32 $0x7FFF, v3  }
0x5b: {  	[tilespmem:$0x2950] =	vst v1;
	v1 =	vshrl.u32 v63, $0xF  }
0x5c: {  	[tilespmem:$0x2860] =	vst v1;
	v1 =	vand.u32 $0x7FFF, v63  }
0x5d: {  	[tilespmem:$0x2960] =	vst v1;
	v1 =	vshrl.u32 v2, $0xF  }
0x5e: {  	[tilespmem:$0x2870] =	vst v1;
	v1 =	vand.u32 $0x7FFF, v2  }
0x5f: {  	s18 =	simm.s32 $0x2800;
	s31 =	simm.s32 $0x0;
	[tilespmem:$0x2970] =	vst v1  }
0x60: {  	[tilespmem:s15], [sflag:$0x1] =	stream.indirect.gather [hbm4b:s4+s17], $0x80, s18, s17, $0xb8;
	[tilespmem:$0x1EA00] =	vst v63  }
0x61: {  	v1 =	vld [tilespmem:s31+$0x80];
	_ =	sdelay $0x4  }
0x62: {  	v2 =	vshrl.u32 v1, $0xF  }
0x63: {  	v1 =	vand.u32 $0x7FFF, v1;
	[tilespmem:$0x2880] =	vst v2  }
0x64: {  	[tilespmem:$0x2980] =	vst v1  }
0x65: {  	v1 =	vld [tilespmem:s31+$0x90];
	_ =	sdelay $0x4  }
0x66: {  	v2 =	vshrl.u32 v1, $0xF  }
0x67: {  	v1 =	vand.u32 $0x7FFF, v1;
	[tilespmem:$0x2890] =	vst v2  }
0x68: {  	[tilespmem:$0x2990] =	vst v1  }
0x69: {  	v1 =	vld [tilespmem:s31+$0xA0];
	_ =	sdelay $0x4  }
0x6a: {  	v2 =	vshrl.u32 v1, $0xF  }
0x6b: {  	v1 =	vand.u32 $0x7FFF, v1;
	[tilespmem:$0x28A0] =	vst v2  }
0x6c: {  	[tilespmem:$0x29A0] =	vst v1  }
0x6d: {  	v1 =	vld [tilespmem:s31+$0xB0];
	_ =	sdelay $0x4  }
0x6e: {  	v2 =	vshrl.u32 v1, $0xF  }
0x6f: {  	v1 =	vand.u32 $0x7FFF, v1;
	[tilespmem:$0x28B0] =	vst v2  }
0x70: {  	[tilespmem:$0x29B0] =	vst v1  }
0x71: {  	v1 =	vld [tilespmem:s31+$0xC0];
	_ =	sdelay $0x4  }
0x72: {  	v2 =	vshrl.u32 v1, $0xF  }
0x73: {  	v1 =	vand.u32 $0x7FFF, v1;
	[tilespmem:$0x28C0] =	vst v2  }
0x74: {  	[tilespmem:$0x29C0] =	vst v1  }
0x75: {  	v1 =	vld [tilespmem:s31+$0xD0];
	_ =	sdelay $0x4  }
0x76: {  	v2 =	vshrl.u32 v1, $0xF  }
0x77: {  	v1 =	vand.u32 $0x7FFF, v1;
	[tilespmem:$0x28D0] =	vst v2  }
0x78: {  	[tilespmem:$0x29D0] =	vst v1  }
0x79: {  	v1 =	vld [tilespmem:s31+$0xE0];
	_ =	sdelay $0x4  }
0x7a: {  	v2 =	vshrl.u32 v1, $0xF  }
0x7b: {  	v1 =	vand.u32 $0x7FFF, v1;
	[tilespmem:$0x28E0] =	vst v2  }
0x7c: {  	[tilespmem:$0x29E0] =	vst v1  }
0x7d: {  	v1 =	vld [tilespmem:s31+$0xF0];
	_ =	sdelay $0x4  }
0x7e: {  	v2 =	vshrl.u32 v1, $0xF  }
0x7f: {  	v1 =	vand.u32 $0x7FFF, v1;
	[tilespmem:$0x28F0] =	vst v2  }
0x80: {  	[tilespmem:$0x29F0] =	vst v1  }
0x81: {  	[tilespmem:s20], [sflag:$0x2] =	stream.indirect.gather [hbm4b:s4+s17], $0x80, s19, s17, $0xb8;
	[tilespmem:$0x1EA00] =	vst v63  }
0x82: {  	_ =	swait.ge [sflag:s21], $0x4000  }
0x83: {  	[sflag:s21] =	ssyncset.done $0x0  }
0x84: {  	[sflag:s21] =	ssyncadd.s32 $0xFFFFC000  }
0x85: {  	[spmem:s2] =	stream.indirect.scatter.add.f32 [tilespmem:s15], [sflag:$0x3], $0x80, s22, s17, $0xb8;
	[tilespmem:$0x1EA00] =	vst v63  }
0x86: {  	_ =	swait.ge [sflag:s16], $0x4000  }
0x87: {  	p3 =	por $0x0, $0x0;
	[sflag:s16] =	ssyncset.done $0x0  }
0x88: {  	s30 =	simm.s32 @!p3 $0x0;
	[sflag:s16] =	ssyncadd.s32 $0xFFFFC000  }
0x89: {  	v1 =	vld @!p3 [tilespmem:s30+$0x100];
	_ =	sdelay $0x4  }
0x8a: {  	v2 =	vshrl.u32 @!p3 v1, $0xF  }
0x8b: {  	v1 =	vand.u32 @!p3 $0x7FFF, v1;
	[tilespmem:$0x2800] =	vst @!p3 v2  }
0x8c: {  	[tilespmem:$0x2900] =	vst @!p3 v1  }
0x8d: {  	v1 =	vld @!p3 [tilespmem:s30+$0x110];
	_ =	sdelay $0x4  }
0x8e: {  	v2 =	vshrl.u32 @!p3 v1, $0xF  }
0x8f: {  	v1 =	vand.u32 @!p3 $0x7FFF, v1;
	[tilespmem:$0x2810] =	vst @!p3 v2  }
0x90: {  	[tilespmem:$0x2910] =	vst @!p3 v1  }
0x91: {  	v1 =	vld @!p3 [tilespmem:s30+$0x120];
	_ =	sdelay $0x4  }
0x92: {  	v2 =	vshrl.u32 @!p3 v1, $0xF  }
0x93: {  	v1 =	vand.u32 @!p3 $0x7FFF, v1;
	[tilespmem:$0x2820] =	vst @!p3 v2  }
0x94: {  	[tilespmem:$0x2920] =	vst @!p3 v1  }
0x95: {  	v1 =	vld @!p3 [tilespmem:s30+$0x130];
	_ =	sdelay $0x4  }
0x96: {  	v2 =	vshrl.u32 @!p3 v1, $0xF  }
0x97: {  	v1 =	vand.u32 @!p3 $0x7FFF, v1;
	[tilespmem:$0x2830] =	vst @!p3 v2  }
0x98: {  	[tilespmem:$0x2930] =	vst @!p3 v1  }
0x99: {  	v1 =	vld @!p3 [tilespmem:s30+$0x140];
	_ =	sdelay $0x4  }
0x9a: {  	v2 =	vshrl.u32 @!p3 v1, $0xF  }
0x9b: {  	v1 =	vand.u32 @!p3 $0x7FFF, v1;
	[tilespmem:$0x2840] =	vst @!p3 v2  }
0x9c: {  	[tilespmem:$0x2940] =	vst @!p3 v1  }
0x9d: {  	v1 =	vld @!p3 [tilespmem:s30+$0x150];
	_ =	sdelay $0x4  }
0x9e: {  	v2 =	vshrl.u32 @!p3 v1, $0xF  }
0x9f: {  	v1 =	vand.u32 @!p3 $0x7FFF, v1;
	[tilespmem:$0x2850] =	vst @!p3 v2  }
0xa0: {  	[tilespmem:$0x2950] =	vst @!p3 v1  }
0xa1: {  	v1 =	vld @!p3 [tilespmem:s30+$0x160];
	_ =	sdelay $0x4  }
0xa2: {  	s29 =	simm.s32 $0x400;
	v2 =	vshrl.u32 @!p3 v1, $0xF  }
0xa3: {  	s1 =	simm.s32 @!p3 $0x80;
	s3 =	simm.s32 @!p3 $0x2800;
	s18 =	simm.s32 @!p3 $0x2A00;
	v1 =	vand.u32 @!p3 $0x7FFF, v1;
	[tilespmem:$0x2860] =	vst @!p3 v2  }
.LBB2_7:
0xa4: {  	[tilespmem:$0x2960] =	vst @!p3 v1;
	s31 =	smov.u32 s29;
	s29 =	sadd.s32 $0x400, s29  }
0xa5: {  	p2 =	sne.s32 s29, $0xA000;
	v1 =	vld @!p3 [tilespmem:s30+$0x170];
	_ =	sdelay $0x4  }
0xa6: {  	v2 =	vshrl.u32 @!p3 v1, $0xF;
	v1 =	vand.u32 @!p3 $0x7FFF, v1  }
0xa7: {  	[tilespmem:$0x2870] =	vst @!p3 v2  }
0xa8: {  	[tilespmem:$0x2970] =	vst @!p3 v1  }
0xa9: {  	[tilespmem:s18], [sflag:$0x1] =	stream.indirect.gather @!p3 [hbm4b:s4+s1], $0x80, s3, s1, $0xb8;
	[tilespmem:$0x1EA00] =	vst v63  }
0xaa: {  	_ =	swait.ge [sflag:s23], $0x4000  }
0xab: {  	[sflag:s23] =	ssyncset.done $0x0  }
0xac: {  	[sflag:s23] =	ssyncadd.s32 $0xFFFFC000  }
0xad: {  	[spmem:s2] =	stream.indirect.scatter.add.f32 [tilespmem:s20], [sflag:$0x3], $0x80, s26, s17, $0xb8;
	[tilespmem:$0x1EA00] =	vst v63  }
0xae: {  	_ =	swait.ge [sflag:s16], $0x4000  }
0xaf: {  	[sflag:s16] =	ssyncset.done $0x0  }
0xb0: {  	s30 =	sshra.s32 s31, $0x2;
	[sflag:s16] =	ssyncadd.s32 $0xFFFFC000  }
0xb1: {  	v1 =	vld [tilespmem:s30+$0x80];
	_ =	sdelay $0x4  }
0xb2: {  	v2 =	vshrl.u32 v1, $0xF;
	v1 =	vand.u32 $0x7FFF, v1  }
0xb3: {  	[tilespmem:$0x2880] =	vst v2  }
0xb4: {  	[tilespmem:$0x2980] =	vst v1  }
0xb5: {  	v1 =	vld [tilespmem:s30+$0x90];
	_ =	sdelay $0x4  }
0xb6: {  	v2 =	vshrl.u32 v1, $0xF;
	v1 =	vand.u32 $0x7FFF, v1  }
0xb7: {  	[tilespmem:$0x2890] =	vst v2  }
0xb8: {  	[tilespmem:$0x2990] =	vst v1  }
0xb9: {  	v1 =	vld [tilespmem:s30+$0xA0];
	_ =	sdelay $0x4  }
0xba: {  	v2 =	vshrl.u32 v1, $0xF;
	v1 =	vand.u32 $0x7FFF, v1  }
0xbb: {  	[tilespmem:$0x28A0] =	vst v2  }
0xbc: {  	[tilespmem:$0x29A0] =	vst v1  }
0xbd: {  	v1 =	vld [tilespmem:s30+$0xB0];
	_ =	sdelay $0x4  }
0xbe: {  	v2 =	vshrl.u32 v1, $0xF;
	v1 =	vand.u32 $0x7FFF, v1  }
0xbf: {  	[tilespmem:$0x28B0] =	vst v2  }
0xc0: {  	[tilespmem:$0x29B0] =	vst v1  }
0xc1: {  	v1 =	vld [tilespmem:s30+$0xC0];
	_ =	sdelay $0x4  }
0xc2: {  	v2 =	vshrl.u32 v1, $0xF;
	v1 =	vand.u32 $0x7FFF, v1  }
0xc3: {  	[tilespmem:$0x28C0] =	vst v2  }
0xc4: {  	[tilespmem:$0x29C0] =	vst v1  }
0xc5: {  	v1 =	vld [tilespmem:s30+$0xD0];
	_ =	sdelay $0x4  }
0xc6: {  	v2 =	vshrl.u32 v1, $0xF;
	v1 =	vand.u32 $0x7FFF, v1  }
0xc7: {  	[tilespmem:$0x28D0] =	vst v2  }
0xc8: {  	[tilespmem:$0x29D0] =	vst v1  }
0xc9: {  	v1 =	vld [tilespmem:s30+$0xE0];
	_ =	sdelay $0x4  }
0xca: {  	v2 =	vshrl.u32 v1, $0xF;
	v1 =	vand.u32 $0x7FFF, v1  }
0xcb: {  	[tilespmem:$0x28E0] =	vst v2  }
0xcc: {  	[tilespmem:$0x29E0] =	vst v1  }
0xcd: {  	v1 =	vld [tilespmem:s30+$0xF0];
	_ =	sdelay $0x4  }
0xce: {  	v2 =	vshrl.u32 v1, $0xF;
	v1 =	vand.u32 $0x7FFF, v1  }
0xcf: {  	p3 =	seq.s32 s31, $0x9C00;
	[tilespmem:$0x28F0] =	vst v2  }
0xd0: {  	s30 =	sshra.s32 @!p3 s31, $0x2;
	[tilespmem:$0x29F0] =	vst v1  }
0xd1: {  	[tilespmem:s20], [sflag:$0x2] =	stream.indirect.gather [hbm4b:s4+s17], $0x80, s19, s17, $0xb8;
	[tilespmem:$0x1EA00] =	vst v63  }
0xd2: {  	_ =	swait.ge [sflag:s21], $0x4000  }
0xd3: {  	[sflag:s21] =	ssyncset.done $0x0  }
0xd4: {  	[sflag:s21] =	ssyncadd.s32 $0xFFFFC000  }
0xd5: {  	[spmem:s2] =	stream.indirect.scatter.add.f32 [tilespmem:s15], [sflag:$0x3], $0x80, s22, s17, $0xb8;
	[tilespmem:$0x1EA00] =	vst v63  }
0xd6: {  	_ =	swait.ge [sflag:s16], $0x4000  }
0xd7: {  	[sflag:s16] =	ssyncset.done $0x0  }
0xd8: {  	[sflag:s16] =	ssyncadd.s32 $0xFFFFC000  }
0xd9: {  	v1 =	vld @!p3 [tilespmem:s30+$0x100];
	_ =	sdelay $0x4  }
0xda: {  	v2 =	vshrl.u32 @!p3 v1, $0xF;
	v1 =	vand.u32 @!p3 $0x7FFF, v1  }
0xdb: {  	[tilespmem:$0x2800] =	vst @!p3 v2  }
0xdc: {  	[tilespmem:$0x2900] =	vst @!p3 v1  }
0xdd: {  	v1 =	vld @!p3 [tilespmem:s30+$0x110];
	_ =	sdelay $0x4  }
0xde: {  	v2 =	vshrl.u32 @!p3 v1, $0xF;
	v1 =	vand.u32 @!p3 $0x7FFF, v1  }
0xdf: {  	[tilespmem:$0x2810] =	vst @!p3 v2  }
0xe0: {  	[tilespmem:$0x2910] =	vst @!p3 v1  }
0xe1: {  	v1 =	vld @!p3 [tilespmem:s30+$0x120];
	_ =	sdelay $0x4  }
0xe2: {  	v2 =	vshrl.u32 @!p3 v1, $0xF;
	v1 =	vand.u32 @!p3 $0x7FFF, v1  }
0xe3: {  	[tilespmem:$0x2820] =	vst @!p3 v2  }
0xe4: {  	[tilespmem:$0x2920] =	vst @!p3 v1  }
0xe5: {  	v1 =	vld @!p3 [tilespmem:s30+$0x130];
	_ =	sdelay $0x4  }
0xe6: {  	v2 =	vshrl.u32 @!p3 v1, $0xF;
	v1 =	vand.u32 @!p3 $0x7FFF, v1  }
0xe7: {  	[tilespmem:$0x2830] =	vst @!p3 v2  }
0xe8: {  	[tilespmem:$0x2930] =	vst @!p3 v1  }
0xe9: {  	v1 =	vld @!p3 [tilespmem:s30+$0x140];
	_ =	sdelay $0x4  }
0xea: {  	v2 =	vshrl.u32 @!p3 v1, $0xF;
	v1 =	vand.u32 @!p3 $0x7FFF, v1  }
0xeb: {  	[tilespmem:$0x2840] =	vst @!p3 v2  }
0xec: {  	[tilespmem:$0x2940] =	vst @!p3 v1  }
0xed: {  	v1 =	vld @!p3 [tilespmem:s30+$0x150];
	_ =	sdelay $0x4  }
0xee: {  	v2 =	vshrl.u32 @!p3 v1, $0xF;
	v1 =	vand.u32 @!p3 $0x7FFF, v1  }
0xef: {  	[tilespmem:$0x2850] =	vst @!p3 v2  }
0xf0: {  	s1 =	simm.s32 @!p3 $0x80;
	s3 =	simm.s32 @!p3 $0x2800;
	s18 =	simm.s32 @!p3 $0x2A00;
	[tilespmem:$0x2950] =	vst @!p3 v1  }
0xf1: {  	v1 =	vld @!p3 [tilespmem:s30+$0x160];
	_ =	sdelay $0x1  }
.Ltmp3:
0xf2: {  	(pc) =	sbr.rel @p2 .LBB2_7-.Ltmp3, $3  }
0xf3: {  	_ =	sdelay $0x1  }
0xf4: {  	v2 =	vshrl.u32 @!p3 v1, $0xF;
	v1 =	vand.u32 @!p3 $0x7FFF, v1  }
0xf5: {  	[tilespmem:$0x2860] =	vst @!p3 v2  }
0xf6: {  	[tilespmem:$0x2960] =	vst @!p3 v1  }
0xf7: {  	v1 =	vld @!p3 [tilespmem:s30+$0x170];
	_ =	sdelay $0x4  }
0xf8: {  	v2 =	vshrl.u32 @!p3 v1, $0xF  }
0xf9: {  	v1 =	vand.u32 @!p3 $0x7FFF, v1;
	[tilespmem:$0x2870] =	vst @!p3 v2  }
0xfa: {  	[tilespmem:$0x2970] =	vst @!p3 v1  }
0xfb: {  	[tilespmem:s18], [sflag:$0x1] =	stream.indirect.gather @!p3 [hbm4b:s4+s1], $0x80, s3, s1, $0xb8;
	[tilespmem:$0x1EA00] =	vst v63  }
0xfc: {  	_ =	swait.ge [sflag:s23], $0x4000  }
0xfd: {  	[sflag:s23] =	ssyncset.done $0x0  }
0xfe: {  	[sflag:s23] =	ssyncadd.s32 $0xFFFFC000  }
0xff: {  	[spmem:s2] =	stream.indirect.scatter.add.f32 [tilespmem:s20], [sflag:$0x3], $0x80, s26, s17, $0xb8;
	[tilespmem:$0x1EA00] =	vst v63  }
0x100: {  	_ =	swait.ge [sflag:s16], $0x4000  }
0x101: {  	s31 =	sshrl.u32 s7, $0x3;
	s28 =	sadd.s32 $0x1, s28;
	[sflag:s16] =	ssyncset.done $0x0  }
0x102: {  	s30 =	sshll.u32 s0, $0x6;
	p2 =	sne.s32 s28, s14;
	[sflag:s16] =	ssyncadd.s32 $0xFFFFC000  }
.Ltmp4:
0x103: {  	s1 =	sor.u32 $0x1C03, s30;
	[bflag:$0x0] =	sbarrier.arrive $0xFFFF;
	(pc) =	sbr.rel @p2 .LBB2_1-.Ltmp4, $4  }
0x104: {  	[hbm:s13], [sflag:s1] =	dma.local [spmem:s31], $0x2800  }
0x105: {  	_ =	swait.ge [sflag:s16], $0x2800  }
0x106: {  	[sflag:s16] =	ssyncset.done $0x0  }
0x107: {  	[sflag:s16] =	ssyncadd.s32 $0xFFFFD800  }
0x108: {  	_ =	sfence.sel $0x180000  }
0x109: {  	[bflag:$0x0] =	sbarrier.arrive $0xFFFF  }
0x10a: {  	_ =	strace $0x9000004A  }
0x10b: {  	[bflag:$0x2] =	sbarrier.arrive $0xFFFF  }
0x10c: {  	p0 =	sne.s32 s0, $0x0;
	s0 =	rddreg [dreg:$0x2]  }
0x10d: {  	s0 =	sadd.s32 @!p0 $0x100000, s0  }
0x10e: {  	[sflag:s0] =	ssyncadd.tile.s32 @!p0 $0x1;
	_ =	shalt  }
.Lfunc_end2:
_tile_overlayer_lowered:
.L_overlay_start_2:
0x10f: {  	(tag) =	ssettag $0x2  }
0x110: {  	s0 =	rddreg [dreg:$0x0];
	s2 =	stileid.u32  }
0x111: {  	s1 =	rddreg [dreg:$0x1];
	p0 =	sne.s32 s2, $0x0  }
0x112: {  	s3 =	rddreg [dreg:$0x2];
	[bflag:$0x3] =	sbarrier.arrive $0xFFFF;
	s2 =	simm.s32 @!p0 $0x1C03  }
0x113: {  	[timem:s3], [sflag:s2] =	dma.local @!p0 [hbm:s0], s1  }
0x114: {  	s0 =	simm.s32 @!p0 $0x3  }
0x115: {  	_ =	swait.ge @!p0 [sflag:s0], s1  }
0x116: {  	s1 =	ssub.s32 @!p0 $0x0, s1;
	[sflag:s0] =	ssyncset.done @!p0 $0x0  }
0x117: {  	[sflag:s0] =	ssyncadd.s32 @!p0 s1  }
0x118: {  	[bflag:$0x3] =	sbarrier.arrive $0xFFFF  }
0x119: {  	_ =	shalt  }

// kernel: kernel.7.cloned.1.call-start
scs
__scs_entry_jumppad:
0x0: {  	(pc) =	sbr.rel $0x88, $3  }
0x1: {  	(tag) =	ssettag $0x0;
	lr =	simm.s32 $0x1  }
0x2: {  	[smem:$0x3F97] =	sst lr;
	_ =	strace $0xD0000000  }
0x3: {  	_ = 	snop  }
0x4: {  	_ = 	snop  }
0x5: {  	_ = 	snop  }
0x6: {  	_ = 	snop  }
0x7: {  	_ = 	snop  }
__scs_overlays_trampoline_lowered:
0x8: {  	[smem:$0x3FA6] =	sst s0  }
0x9: {  	[smem:$0x3FA7] =	sst s1  }
0xa: {  	[smem:$0x3FA8] =	sst s2  }
0xb: {  	[smem:$0x3FA9] =	sst s3  }
0xc: {  	[smem:$0x3FAA] =	sst s4  }
0xd: {  	[smem:$0x3FAB] =	sst s5  }
0xe: {  	[smem:$0x3FAC] =	sst s6  }
0xf: {  	[smem:$0x3FAD] =	sst s7  }
0x10: {  	[smem:$0x3FAE] =	sst s8  }
0x11: {  	[smem:$0x3FAF] =	sst s9;
	s0 =	simm.s32 @!p0 $0x0  }
0x12: {  	s1 =	sld [smem:$0x3F95];
	s0 =	simm.s32 @p0 $0x1  }
0x13: {  	[smem:$0x3FB0] =	sst s0;
	s0 =	simm.s32 @!p1 $0x0  }
0x14: {  	s2 =	sld [smem:$0x3F94];
	s0 =	simm.s32 @p1 $0x1  }
0x15: {  	[smem:$0x3FB1] =	sst s0;
	s0 =	simm.s32 @!p2 $0x0  }
0x16: {  	s3 =	sld [smem:$0x3FDB];
	s0 =	simm.s32 @p2 $0x1  }
0x17: {  	s4 =	simm.s32 $0x1BF5;
	[smem:$0x3FB3] =	sst s0  }
0x18: {  	s0 =	sld [smem:$0x3F96];
	_ =	swait.ge [sflag:s4], $0x0  }
0x19: {  	s7 =	sld [smem:$0x3F97]  }
0x1a: {  	s8 =	sadd.s32 $0xFFFFE003, lr  }
0x1b: {  	s9 =	sadd.s32 $0xFFFFFEF7, lr;
	s5 =	simm.s32 $0xFFFFFFFF;
	p2 =	slt.u32 s8, $0xFFFFF086  }
0x1c: {  	p1 =	slt.u32 s9, $0xF7A;
	s5 =	simm.s32 @!p2 $0x0  }
0x1d: {  	s5 =	simm.s32 @p1 $0x1;
	p0 =	seq.s32 s7, s2  }
0x1e: {  	s7 =	smul.u32 @!p0 $0xF7A, s2;
	p2 =	seq.s32 @!p0 s5, $0x0  }
0x1f: {  	s9 =	smul.u32 $0xF7A, s1;
	s8 =	simm.s32 @!p0 $0x1BF5;
	p2 =	por !p2, p0  }
0x20: {  	[sflag:s8] =	ssyncset.s32 @!p0 $0xFFFFF086;
	s6 =	sadd.s32 @!p0 s3, s7;
	s7 =	simm.s32 @!p0 $0x108  }
0x21: {  	s3 =	sadd.s32 s3, s9;
	s6 =	sadd.s32 @!p0 $0x88, s6;
	s7 =	simm.s32 @p2 $0x1082  }
0x22: {  	[simem:s7], [sflag:s8] =	dma.local @!p0 [hbm:s6], $0xF7A  }
0x23: {  	s9 =	sor.u32 $0xD0000000, s2;
	s6 =	simm.s32 $0x108;
	_ =	swait.ge @!p0 [sflag:s8], $0x0  }
0x24: {  	s3 =	sadd.s32 $0x88, s3;
	s6 =	simm.s32 @!p1 $0x1082;
	[sflag:s4] =	ssyncset.s32 $0xFFFFF086  }
0x25: {  	[simem:s6], [sflag:s4] =	dma.local [hbm:s3], $0xF7A  }
0x26: {  	[smem:$0x3F97] =	sst s1;
	(tag) =	ssettag s2;
	_ =	strace s9  }
0x27: {  	s1 =	sld [smem:$0x3FA7]  }
0x28: {  	s2 =	sld [smem:$0x3FA8]  }
0x29: {  	s4 =	sld [smem:$0x3FAA]  }
0x2a: {  	p0 =	seq.s32 s5, $0x0;
	s5 =	sld [smem:$0x3FAB]  }
0x2b: {  	s6 =	sld [smem:$0x3FAC]  }
0x2c: {  	s7 =	sld [smem:$0x3FAD]  }
0x2d: {  	s3 =	simm.s32 $0x108;
	s8 =	sld [smem:$0x3FAE]  }
0x2e: {  	s3 =	simm.s32 @!p0 $0x1082;
	s9 =	sld [smem:$0x3FAF]  }
0x2f: {  	lr =	sadd.s32 s0, s3;
	s0 =	sld [smem:$0x3FA6]  }
0x30: {  	s3 =	sld [smem:$0x3FA9]  }
0x31: {  	[smem:$0x3FB2] =	sst s10  }
0x32: {  	s10 =	sld [smem:$0x3FB0];
	_ =	sdelay $0x3  }
0x33: {  	p0 =	seq.s32 s10, $0x1;
	s10 =	sld [smem:$0x3FB2];
	_ =	sdelay $0x3  }
0x34: {  	[smem:$0x3FB2] =	sst s10  }
0x35: {  	s10 =	sld [smem:$0x3FB1];
	_ =	sdelay $0x3  }
0x36: {  	p1 =	seq.s32 s10, $0x1;
	s10 =	sld [smem:$0x3FB2];
	_ =	sdelay $0x3  }
0x37: {  	[smem:$0x3FB2] =	sst s10  }
0x38: {  	s10 =	sld [smem:$0x3FB3]  }
0x39: {  	_ = 	snop;
	(pc) =	sbr.ind lr, $3  }
0x3a: {  	_ = 	snop  }
0x3b: {  	_ = 	snop  }
0x3c: {  	p2 =	seq.s32 s10, $0x1;
	s10 =	sld [smem:$0x3FB2]  }
0x3d: {  	_ =	shalt  }
0x3e: {  	_ =	shalt  }
0x3f: {  	_ =	shalt  }
0x40: {  	_ =	shalt  }
0x41: {  	_ =	shalt  }
0x42: {  	_ =	shalt  }
0x43: {  	_ =	shalt  }
0x44: {  	_ =	shalt  }
0x45: {  	_ =	shalt  }
0x46: {  	_ =	shalt  }
0x47: {  	_ =	shalt  }
0x48: {  	_ =	shalt  }
0x49: {  	_ =	shalt  }
0x4a: {  	_ =	shalt  }
0x4b: {  	_ =	shalt  }
0x4c: {  	_ =	shalt  }
0x4d: {  	_ =	shalt  }
0x4e: {  	_ =	shalt  }
0x4f: {  	_ =	shalt  }
0x50: {  	_ =	shalt  }
0x51: {  	_ =	shalt  }
0x52: {  	_ =	shalt  }
0x53: {  	_ =	shalt  }
0x54: {  	_ =	shalt  }
0x55: {  	_ =	shalt  }
0x56: {  	_ =	shalt  }
0x57: {  	_ =	shalt  }
0x58: {  	_ =	shalt  }
0x59: {  	_ =	shalt  }
0x5a: {  	_ =	shalt  }
0x5b: {  	_ =	shalt  }
0x5c: {  	_ =	shalt  }
0x5d: {  	_ =	shalt  }
0x5e: {  	_ =	shalt  }
0x5f: {  	_ =	shalt  }
0x60: {  	_ =	shalt  }
0x61: {  	_ =	shalt  }
0x62: {  	_ =	shalt  }
0x63: {  	_ =	shalt  }
0x64: {  	_ =	shalt  }
0x65: {  	_ =	shalt  }
0x66: {  	_ =	shalt  }
0x67: {  	_ =	shalt  }
0x68: {  	_ =	shalt  }
0x69: {  	_ =	shalt  }
0x6a: {  	_ =	shalt  }
0x6b: {  	_ =	shalt  }
0x6c: {  	_ =	shalt  }
0x6d: {  	_ =	shalt  }
0x6e: {  	_ =	shalt  }
0x6f: {  	_ =	shalt  }
0x70: {  	_ =	shalt  }
0x71: {  	_ =	shalt  }
0x72: {  	_ =	shalt  }
0x73: {  	_ =	shalt  }
0x74: {  	_ =	shalt  }
0x75: {  	_ =	shalt  }
0x76: {  	_ =	shalt  }
0x77: {  	_ =	shalt  }
0x78: {  	_ =	shalt  }
0x79: {  	_ =	shalt  }
0x7a: {  	_ =	shalt  }
0x7b: {  	_ =	shalt  }
0x7c: {  	_ =	shalt  }
0x7d: {  	_ =	shalt  }
0x7e: {  	_ =	shalt  }
0x7f: {  	_ =	shalt  }
0x80: {  	_ =	shalt  }
0x81: {  	_ =	shalt  }
0x82: {  	_ =	shalt  }
0x83: {  	_ =	shalt  }
0x84: {  	_ =	shalt  }
0x85: {  	_ =	shalt  }
0x86: {  	_ =	shalt  }
0x87: {  	_ =	shalt  }
.Lfunc_end0:
.L_simem_size_0:
called_computation_lowered:
.L_overlay_start_0:
0x88: {  	s2 =	sld [smem:$0x3FD9]  }
0x89: {  	s3 =	sld [smem:$0x3FFE];
	_ =	sdelay $0x1  }
0x8a: {  	s1 =	srdreg.scid  }
0x8b: {  	s0 =	sand.u32 $0x1, s1  }
0x8c: {  	s16 =	sshll.u32 s0, $0xA;
	s2 =	sadd.s32 s3, s2  }
0x8d: {  	s2 =	sadd.s32 s2, s16  }
0x8e: {  	[smem:$0x3FBE] =	sst s2  }
0x8f: {  	_ = 	snop  }
0x90: {  	(tm) =	ssettm $0x1  }
0x91: {  	s17 =	sld [smem:$0x3FFB];
	_ =	sdelay $0x3  }
0x92: {  	_ =	strace s17  }
0x93: {  	s2 =	sld [smem:$0x3FFC];
	_ =	sdelay $0x3  }
0x94: {  	_ =	strace s2  }
0x95: {  	s2 =	sld [smem:$0x3FFD];
	_ =	sdelay $0x3  }
0x96: {  	_ =	strace s2  }
0x97: {  	_ =	strace $0x8FFFFFFF  }
0x98: {  	s18 =	sld [smem:$0x3FDB];
	_ =	sdelay $0x1  }
0x99: {  	s19 =	simm.s32 $_scs_section_size  }
0x9a: {  	s4 =	simm.s32 $_size__tile_overlayer_lowered;
	s5 =	simm.s32 $_tile_overlayer_lowered  }
0x9b: {  	s22 =	simm.s32 $0x1BFF;
	s21 =	sshll.u32 s5, $0x1;
	s2 =	sadd.s32 s19, s18  }
0x9c: {  	s6 =	simm.s32 $0x0;
	s20 =	sshll.u32 s4, $0x1;
	s4 =	sadd.s32 s21, s2  }
0x9d: {  	[timem:s6], [sflag:s22] =	dma.local [hbm:s4], s20  }
0x9e: {  	_ =	swait.ge [sflag:s22], s20  }
0x9f: {  	s3 =	ssub.s32 $0x0, s20;
	[sflag:s22] =	ssyncset.done $0x0  }
0xa0: {  	[sflag:s22] =	ssyncadd.s32 s3;
	_ =	sdelay $0x1  }
0xa1: {  	s23 =	simm.s32 $0x1B8B  }
0xa2: {  	_ =	swait.ge [sflag:s23], $0x1  }
0xa3: {  	[sflag:s23] =	ssyncset.done $0x0  }
0xa4: {  	s25 =	simm.s32 $0x1B8E;
	s24 =	sld [smem:$0x3FFE];
	[sflag:s23] =	ssyncadd.s32 $0xFFFFFFFF  }
0xa5: {  	s26 =	simm.s32 $execute0_lowered;
	[smem:$0x3FD2] =	sst s25  }
0xa6: {  	s4 =	sshll.u32 s26, $0x1;
	_ =	strace $0x80000046;
	[dreg:$0x1] =	wrdreg $0xFFFFFFFF  }
0xa7: {  	s28 =	simm.s32 $_size_execute0_lowered;
	s2 =	sadd.s32 s2, s4;
	[dreg:$0x0] =	wrdreg $0x0  }
0xa8: {  	s4 =	sshll.u32 s28, $0x1;
	[dreg:$0x2] =	wrdreg s2  }
0xa9: {  	[dreg:$0x3] =	wrdreg s4  }
0xaa: {  	[dreg:$0x4] =	wrdreg $0xC0  }
0xab: {  	_ =	task [dreg:s6], $0x5FFFF  }
0xac: {  	[dreg:$0x1] =	wrdreg $0xFFFFFFFF  }
0xad: {  	[dreg:$0x0] =	wrdreg $0x60  }
0xae: {  	[dreg:$0x2] =	wrdreg s24  }
0xaf: {  	[dreg:$0x3] =	wrdreg $0x2B000  }
0xb0: {  	[dreg:$0x4] =	wrdreg $0x9  }
0xb1: {  	_ =	task.clear_ibuf [dreg:s6], $0x5FFFF;
	_ =	strace $0x90000046  }
0xb2: {  	s29 =	simm.s32 $0x9;
	_ =	strace $0x80000048  }
0xb3: {  	_ =	swait.ge [sflag:s29], $0x1  }
0xb4: {  	[sflag:s29] =	ssyncadd.s32 $0xFFFFFFFF  }
0xb5: {  	_ =	strace $0x90000048  }
0xb6: {  	_ =	sfence  }
0xb7: {  	s30 =	sld [smem:$0x0];
	_ =	sdelay $0x2  }
0xb8: {  	s31 =	sshll.u32 s1, $0xD;
	s1 =	sshrl.u32 s1, $0x2  }
0xb9: {  	s3 =	sand.u32 $0x4000, s31;
	s1 =	sadd.s32 s1, s30  }
0xba: {  	s0 =	sor.u32 s3, s0;
	s1 =	sshll.u32 s1, $0x11  }
0xbb: {  	s0 =	sor.u32 s1, s0  }
0xbc: {  	s0 =	sadd.s32 $0x8F2B, s0  }
0xbd: {  	[sflag:s0] =	ssyncadd.remote.s32 $0x1  }
0xbe: {  	_ =	sfence.sel $0xFFFF  }
0xbf: {  	[dreg:$0x0] =	wrdreg $0xFFFFFFFF;
	(pc) =	sbr.abs _section_cstart, $3  }
0xc0: {  	[dreg:$0x1] =	wrdreg $0xFFFFFFFF  }
0xc1: {  	_ =	task.clear_ibuf [dreg:s6], $0x2FFFF;
	_ =	strace $0x9FFFFFFF  }
0xc2: {  	(tm) =	ssettm $0x7FFFFFFF  }
0xc3: {  	_ =	shalt  }
tec
execute0_lowered:
.L_overlay_start_1:
0x0: {  	(tag) =	ssettag $0x1  }
0x1: {  	s4 =	rddreg [dreg:$0x0]  }
0x2: {  	s1 =	rddreg [dreg:$0x1]  }
0x3: {  	s2 =	srdreg.scid;
	s0 =	rddreg [dreg:$0x2];
	s3 =	simm.s32 $0x0  }
0x4: {  	s10 =	simm.s32 $0x80;
	s11 =	simm.s32 $0x2800;
	s12 =	simm.s32 $0x1  }
0x5: {  	s15 =	simm.s32 $0x20;
	s16 =	simm.s32 $0x10;
	s17 =	simm.s32 $0x0  }
0x6: {  	s5 =	sand.u32 $0x1, s2;
	s2 =	stileid.u32;
	[smem:$0x7FF] =	sst s3  }
0x7: {  	s6 =	sshll.u32 s5, $0x4;
	s7 =	smul.u32 $0x500, s2;
	_ =	strace $0x80000047  }
0x8: {  	s8 =	sshll.u32 s5, $0x7;
	s5 =	ssub.s32 $0x2, s5;
	s30 =	smul.u32 $0xA00, s2  }
0x9: {  	s13 =	sshll.u32 s2, $0x6;
	s6 =	sor.u32 s2, s6;
	s9 =	sshrl.u32 s5, $0x1  }
0xa: {  	s13 =	sor.u32 $0x1C02, s13;
	s6 =	smul.u32 $0x500, s6;
	s7 =	sor.u32 s8, s7  }
0xb: {  	s9 =	ssub.s32 s5, s9;
	s31 =	sshrl.u32 s30, $0x2;
	s7 =	sshrl.u32 s7, $0x3  }
0xc: {  	s8 =	simm.s32 $0x2880;
	s6 =	sadd.s32 s6, s4;
	s7 =	sadd.s32 s7, s4  }
0xd: {  	s4 =	sadd.s32 s31, s1;
	s5 =	sadd.s32 $0x1C00, s6;
	s6 =	sadd.s32 $0xBC00, s7  }
0xe: {  	v0 =	vimm.f32 $1.000000000e+00;
	v1 =	vimm.f32 $0.0e+00;
	s7 =	smax.u32 s9, $0x1;
	s9 =	simm.s32 $0x2;
	s14 =	sshrl.u32 s4, $0x3  }
.LBB2_1:
0xf: {  	[tilespmem:$0x2800] =	vst v0  }
0x10: {  	[tilespmem:$0x2810] =	vst v0  }
0x11: {  	[tilespmem:$0x2820] =	vst v0  }
0x12: {  	[tilespmem:$0x2830] =	vst v0  }
0x13: {  	[tilespmem:$0x2840] =	vst v0  }
0x14: {  	[tilespmem:$0x2850] =	vst v0  }
0x15: {  	[tilespmem:$0x2860] =	vst v0  }
0x16: {  	[tilespmem:$0x2870] =	vst v0  }
0x17: {  	[tilespmem:$0x2880] =	vst v1  }
0x18: {  	[tilespmem:$0x2890] =	vst v1  }
0x19: {  	[tilespmem:$0x28A0] =	vst v1  }
0x1a: {  	[tilespmem:$0x28B0] =	vst v1  }
0x1b: {  	[tilespmem:$0x28C0] =	vst v1  }
0x1c: {  	[tilespmem:$0x28D0] =	vst v1  }
0x1d: {  	[tilespmem:$0x28E0] =	vst v1  }
0x1e: {  	[tilespmem:$0x28F0] =	vst v1  }
0x1f: {  	[tilespmem:$0x2900] =	vst v1  }
0x20: {  	[tilespmem:$0x2910] =	vst v1  }
0x21: {  	[tilespmem:$0x2920] =	vst v1  }
0x22: {  	[tilespmem:$0x2930] =	vst v1  }
0x23: {  	[tilespmem:$0x2940] =	vst v1  }
0x24: {  	[tilespmem:$0x2950] =	vst v1  }
0x25: {  	[tilespmem:$0x2960] =	vst v1  }
0x26: {  	[tilespmem:$0x2970] =	vst v1  }
0x27: {  	[tilespmem:$0x2980] =	vst v1  }
0x28: {  	[tilespmem:$0x2990] =	vst v1  }
0x29: {  	[tilespmem:$0x29A0] =	vst v1  }
0x2a: {  	[tilespmem:$0x29B0] =	vst v1  }
0x2b: {  	[tilespmem:$0x29C0] =	vst v1  }
0x2c: {  	[tilespmem:$0x29D0] =	vst v1  }
0x2d: {  	[tilespmem:$0x29E0] =	vst v1  }
0x2e: {  	[tilespmem:$0x29F0] =	vst v1  }
0x2f: {  	[tilespmem:$0x2A00] =	vst v1  }
0x30: {  	[tilespmem:$0x2A10] =	vst v1  }
0x31: {  	[tilespmem:$0x2A20] =	vst v1  }
0x32: {  	[tilespmem:$0x2A30] =	vst v1  }
0x33: {  	[tilespmem:$0x2A40] =	vst v1  }
0x34: {  	[tilespmem:$0x2A50] =	vst v1  }
0x35: {  	[tilespmem:$0x2A60] =	vst v1  }
0x36: {  	[tilespmem:$0x2A70] =	vst v1  }
0x37: {  	[tilespmem:$0x2A80] =	vst v1  }
0x38: {  	[tilespmem:$0x2A90] =	vst v1  }
0x39: {  	[tilespmem:$0x2AA0] =	vst v1  }
0x3a: {  	[tilespmem:$0x2AB0] =	vst v1  }
0x3b: {  	[tilespmem:$0x2AC0] =	vst v1  }
0x3c: {  	[tilespmem:$0x2AD0] =	vst v1  }
0x3d: {  	[tilespmem:$0x2AE0] =	vst v1  }
0x3e: {  	[tilespmem:$0x2AF0] =	vst v1  }
0x3f: {  	[spmem:s4] =	stream.linear.scatter [tilespmem:s8], [sflag:$0x2], $0x280, $0x38;
	[tilespmem:$0x2D80] =	vst v63  }
0x40: {  	_ =	swait.ge [sflag:s9], $0x280  }
0x41: {  	[sflag:s9] =	ssyncset.done $0x0  }
0x42: {  	[sflag:s9] =	ssyncadd.s32 $0xFFFFFD80  }
0x43: {  	[tilespmem:s3], [sflag:$0x2] =	stream.linear.gather [hbm4b:s5+s3], $0x2800, $0x38;
	[tilespmem:$0x2D80] =	vst v63  }
0x44: {  	s18 =	sand.u32 $0xFE00, s3;
	_ =	swait.ge [sflag:s9], $0x2800  }
0x45: {  	s19 =	sand.u32 $0x70, s3;
	s18 =	sshrl.u32 s18, $0x2;
	[sflag:s9] =	ssyncset.done $0x0  }
0x46: {  	s18 =	sor.u32 s19, s18;
	[sflag:s9] =	ssyncadd.s32 $0xFFFFD800  }
0x47: {  	v2 =	vld [tilespmem:s18+$0x0];
	_ =	sdelay $0x2  }
0x48: {  	s20 =	simm.s32 $0x40  }
0x49: {  	s21 =	sand.u32 $0xFE00, s20;
	s20 =	simm.s32 $0x80;
	s19 =	simm.s32 $0x10  }
.LBB2_2:
0x4a: {  	p0 =	sne.s32 s20, $0x9FC0;
	s22 =	sand.u32 $0x70, s19;
	s21 =	sshrl.u32 s21, $0x2;
	v2 =	vand.u32 $0x7FFF, v2  }
0x4b: {  	[tilespmem:s18+$0x0] =	vst v2;
	s18 =	sor.u32 s22, s21  }
.Ltmp0:
0x4c: {  	v2 =	vld [tilespmem:s18+$0x0];
	(pc) =	sbr.rel @p0 .LBB2_2-.Ltmp0, $2  }
0x4d: {  	_ =	sdelay $0x2  }
0x4e: {  	s19 =	sadd.s32 $0x10, s19;
	s21 =	sand.u32 $0xFE00, s20;
	s20 =	sadd.s32 $0x40, s20  }
0x4f: {  	s19 =	sand.u32 $0x70, s19;
	s20 =	sshrl.u32 s21, $0x2;
	v2 =	vand.u32 $0x7FFF, v2  }
0x50: {  	s19 =	sor.u32 s19, s20;
	[tilespmem:s18+$0x0] =	vst v2  }
0x51: {  	v2 =	vld [tilespmem:s19+$0x0];
	_ =	sdelay $0x4  }
0x52: {  	v2 =	vand.u32 $0x7FFF, v2  }
0x53: {  	[tilespmem:s19+$0x0] =	vst v2  }
0x54: {  	s23 =	simm.s32 $0x0;
	[bflag:$0x0] =	sbarrier.arrive $0xFFFF  }
0x55: {  	[spmem:s1] =	stream.indirect.scatter.add.f32 [tilespmem:s11], [sflag:$0x1], $0x1, s23, s10, $0xb8;
	[tilespmem:$0x2D80] =	vst v63  }
0x56: {  	s24 =	simm.s32 $0x80  }
0x57: {  	[spmem:s1] =	stream.indirect.scatter.add.f32 [tilespmem:s11], [sflag:$0x1], $0x1, s24, s10, $0xb8;
	[tilespmem:$0x2D80] =	vst v63  }
0x58: {  	s25 =	simm.s32 $0x100  }
0x59: {  	[spmem:s1] =	stream.indirect.scatter.add.f32 [tilespmem:s11], [sflag:$0x1], $0x1, s25, s10, $0xb8;
	[tilespmem:$0x2D80] =	vst v63  }
0x5a: {  	s26 =	simm.s32 $0x180  }
0x5b: {  	[spmem:s1] =	stream.indirect.scatter.add.f32 [tilespmem:s11], [sflag:$0x1], $0x1, s26, s10, $0xb8;
	[tilespmem:$0x2D80] =	vst v63  }
0x5c: {  	s28 =	simm.s32 $0x200  }
0x5d: {  	[spmem:s1] =	stream.indirect.scatter.add.f32 [tilespmem:s11], [sflag:$0x1], $0x1, s28, s10, $0xb8;
	[tilespmem:$0x2D80] =	vst v63  }
0x5e: {  	s29 =	simm.s32 $0x280  }
0x5f: {  	[spmem:s1] =	stream.indirect.scatter.add.f32 [tilespmem:s11], [sflag:$0x1], $0x1, s29, s10, $0xb8;
	[tilespmem:$0x2D80] =	vst v63  }
0x60: {  	s30 =	simm.s32 $0x300  }
0x61: {  	[spmem:s1] =	stream.indirect.scatter.add.f32 [tilespmem:s11], [sflag:$0x1], $0x1, s30, s10, $0xb8;
	[tilespmem:$0x2D80] =	vst v63  }
0x62: {  	s31 =	simm.s32 $0x380  }
0x63: {  	[spmem:s1] =	stream.indirect.scatter.add.f32 [tilespmem:s11], [sflag:$0x1], $0x1, s31, s10, $0xb8;
	[tilespmem:$0x2D80] =	vst v63  }
0x64: {  	_ =	swait.ge [sflag:s12], $0x80  }
0x65: {  	[sflag:s12] =	ssyncset.done $0x0  }
0x66: {  	[sflag:s12] =	ssyncadd.s32 $0xFFFFFF80  }
0x67: {  	_ =	swait.ge [sflag:s12], $0x80  }
0x68: {  	[sflag:s12] =	ssyncset.done $0x0  }
0x69: {  	[sflag:s12] =	ssyncadd.s32 $0xFFFFFF80  }
0x6a: {  	_ =	swait.ge [sflag:s12], $0x80  }
0x6b: {  	[sflag:s12] =	ssyncset.done $0x0  }
0x6c: {  	[sflag:s12] =	ssyncadd.s32 $0xFFFFFF80  }
0x6d: {  	_ =	swait.ge [sflag:s12], $0x80  }
0x6e: {  	[sflag:s12] =	ssyncset.done $0x0  }
0x6f: {  	[sflag:s12] =	ssyncadd.s32 $0xFFFFFF80  }
0x70: {  	_ =	swait.ge [sflag:s12], $0x80  }
0x71: {  	[sflag:s12] =	ssyncset.done $0x0  }
0x72: {  	[sflag:s12] =	ssyncadd.s32 $0xFFFFFF80  }
0x73: {  	_ =	swait.ge [sflag:s12], $0x80  }
0x74: {  	[sflag:s12] =	ssyncset.done $0x0  }
0x75: {  	[sflag:s12] =	ssyncadd.s32 $0xFFFFFF80  }
0x76: {  	_ =	swait.ge [sflag:s12], $0x80  }
0x77: {  	[sflag:s12] =	ssyncset.done $0x0  }
0x78: {  	[sflag:s12] =	ssyncadd.s32 $0xFFFFFF80  }
0x79: {  	_ =	swait.ge [sflag:s12], $0x80  }
0x7a: {  	s18 =	simm.s32 $0x1000;
	s20 =	simm.s32 $0x2000;
	[sflag:s12] =	ssyncset.done $0x0  }
.LBB2_4:
0x7b: {  	s21 =	sshra.s32 s18, $0x2  }
0x7c: {  	[sflag:s12] =	ssyncadd.s32 $0xFFFFFF80;
	s18 =	smov.u32 s20;
	s19 =	sadd.s32 $0x1000, s20  }
0x7d: {  	[spmem:s1] =	stream.indirect.scatter.add.f32 [tilespmem:s11], [sflag:$0x1], $0x1, s21, s10, $0xb8;
	[tilespmem:$0x2D80] =	vst v63  }
0x7e: {  	p0 =	sne.s32 s20, $0x9000;
	s20 =	sadd.s32 $0x80, s21  }
0x7f: {  	[spmem:s1] =	stream.indirect.scatter.add.f32 [tilespmem:s11], [sflag:$0x1], $0x1, s20, s10, $0xb8;
	[tilespmem:$0x2D80] =	vst v63  }
0x80: {  	s20 =	sadd.s32 $0x100, s21  }
0x81: {  	[spmem:s1] =	stream.indirect.scatter.add.f32 [tilespmem:s11], [sflag:$0x1], $0x1, s20, s10, $0xb8;
	[tilespmem:$0x2D80] =	vst v63  }
0x82: {  	s20 =	sadd.s32 $0x180, s21  }
0x83: {  	[spmem:s1] =	stream.indirect.scatter.add.f32 [tilespmem:s11], [sflag:$0x1], $0x1, s20, s10, $0xb8;
	[tilespmem:$0x2D80] =	vst v63  }
0x84: {  	s20 =	sadd.s32 $0x200, s21  }
0x85: {  	[spmem:s1] =	stream.indirect.scatter.add.f32 [tilespmem:s11], [sflag:$0x1], $0x1, s20, s10, $0xb8;
	[tilespmem:$0x2D80] =	vst v63  }
0x86: {  	s20 =	sadd.s32 $0x280, s21  }
0x87: {  	[spmem:s1] =	stream.indirect.scatter.add.f32 [tilespmem:s11], [sflag:$0x1], $0x1, s20, s10, $0xb8;
	[tilespmem:$0x2D80] =	vst v63  }
0x88: {  	s20 =	sadd.s32 $0x300, s21  }
0x89: {  	[spmem:s1] =	stream.indirect.scatter.add.f32 [tilespmem:s11], [sflag:$0x1], $0x1, s20, s10, $0xb8;
	[tilespmem:$0x2D80] =	vst v63  }
0x8a: {  	s20 =	sadd.s32 $0x380, s21  }
0x8b: {  	[spmem:s1] =	stream.indirect.scatter.add.f32 [tilespmem:s11], [sflag:$0x1], $0x1, s20, s10, $0xb8;
	[tilespmem:$0x2D80] =	vst v63  }
0x8c: {  	_ =	swait.ge [sflag:s12], $0x80  }
0x8d: {  	[sflag:s12] =	ssyncset.done $0x0  }
0x8e: {  	[sflag:s12] =	ssyncadd.s32 $0xFFFFFF80  }
0x8f: {  	_ =	swait.ge [sflag:s12], $0x80  }
0x90: {  	[sflag:s12] =	ssyncset.done $0x0  }
0x91: {  	[sflag:s12] =	ssyncadd.s32 $0xFFFFFF80  }
0x92: {  	_ =	swait.ge [sflag:s12], $0x80  }
0x93: {  	[sflag:s12] =	ssyncset.done $0x0  }
0x94: {  	[sflag:s12] =	ssyncadd.s32 $0xFFFFFF80  }
0x95: {  	_ =	swait.ge [sflag:s12], $0x80  }
0x96: {  	[sflag:s12] =	ssyncset.done $0x0  }
0x97: {  	[sflag:s12] =	ssyncadd.s32 $0xFFFFFF80  }
0x98: {  	_ =	swait.ge [sflag:s12], $0x80  }
0x99: {  	[sflag:s12] =	ssyncset.done $0x0  }
0x9a: {  	[sflag:s12] =	ssyncadd.s32 $0xFFFFFF80  }
0x9b: {  	_ =	swait.ge [sflag:s12], $0x80  }
0x9c: {  	[sflag:s12] =	ssyncset.done $0x0  }
0x9d: {  	[sflag:s12] =	ssyncadd.s32 $0xFFFFFF80  }
.Ltmp1:
0x9e: {  	_ =	swait.ge [sflag:s12], $0x80;
	(pc) =	sbr.rel @p0 .LBB2_4-.Ltmp1, $4  }
0x9f: {  	[sflag:s12] =	ssyncset.done $0x0  }
0xa0: {  	[sflag:s12] =	ssyncadd.s32 $0xFFFFFF80  }
0xa1: {  	_ =	swait.ge [sflag:s12], $0x80  }
0xa2: {  	s20 =	smov.u32 s19;
	[sflag:s12] =	ssyncset.done $0x0  }
0xa3: {  	s18 =	sshra.s32 s18, $0x2;
	[sflag:s12] =	ssyncadd.s32 $0xFFFFFF80  }
0xa4: {  	[spmem:s1] =	stream.indirect.scatter.add.f32 [tilespmem:s11], [sflag:$0x1], $0x1, s18, s10, $0xb8;
	[tilespmem:$0x2D80] =	vst v63  }
0xa5: {  	s19 =	sadd.s32 $0x80, s18  }
0xa6: {  	[spmem:s1] =	stream.indirect.scatter.add.f32 [tilespmem:s11], [sflag:$0x1], $0x1, s19, s10, $0xb8;
	[tilespmem:$0x2D80] =	vst v63  }
0xa7: {  	s26 =	sadd.s32 $0x100, s18  }
0xa8: {  	[spmem:s1] =	stream.indirect.scatter.add.f32 [tilespmem:s11], [sflag:$0x1], $0x1, s26, s10, $0xb8;
	[tilespmem:$0x2D80] =	vst v63  }
0xa9: {  	s28 =	sadd.s32 $0x180, s18  }
0xaa: {  	[spmem:s1] =	stream.indirect.scatter.add.f32 [tilespmem:s11], [sflag:$0x1], $0x1, s28, s10, $0xb8;
	[tilespmem:$0x2D80] =	vst v63  }
0xab: {  	s29 =	sadd.s32 $0x200, s18  }
0xac: {  	[spmem:s1] =	stream.indirect.scatter.add.f32 [tilespmem:s11], [sflag:$0x1], $0x1, s29, s10, $0xb8;
	[tilespmem:$0x2D80] =	vst v63  }
0xad: {  	s30 =	sadd.s32 $0x280, s18  }
0xae: {  	[spmem:s1] =	stream.indirect.scatter.add.f32 [tilespmem:s11], [sflag:$0x1], $0x1, s30, s10, $0xb8;
	[tilespmem:$0x2D80] =	vst v63  }
0xaf: {  	s31 =	sadd.s32 $0x300, s18  }
0xb0: {  	[spmem:s1] =	stream.indirect.scatter.add.f32 [tilespmem:s11], [sflag:$0x1], $0x1, s31, s10, $0xb8;
	[tilespmem:$0x2D80] =	vst v63  }
0xb1: {  	s18 =	sadd.s32 $0x380, s18  }
0xb2: {  	[spmem:s1] =	stream.indirect.scatter.add.f32 [tilespmem:s11], [sflag:$0x1], $0x1, s18, s10, $0xb8;
	[tilespmem:$0x2D80] =	vst v63  }
0xb3: {  	_ =	swait.ge [sflag:s12], $0x80  }
0xb4: {  	[sflag:s12] =	ssyncset.done $0x0  }
0xb5: {  	[sflag:s12] =	ssyncadd.s32 $0xFFFFFF80  }
0xb6: {  	_ =	swait.ge [sflag:s12], $0x80  }
0xb7: {  	[sflag:s12] =	ssyncset.done $0x0  }
0xb8: {  	[sflag:s12] =	ssyncadd.s32 $0xFFFFFF80  }
0xb9: {  	_ =	swait.ge [sflag:s12], $0x80  }
0xba: {  	[sflag:s12] =	ssyncset.done $0x0  }
0xbb: {  	[sflag:s12] =	ssyncadd.s32 $0xFFFFFF80  }
0xbc: {  	_ =	swait.ge [sflag:s12], $0x80  }
0xbd: {  	[sflag:s12] =	ssyncset.done $0x0  }
0xbe: {  	[sflag:s12] =	ssyncadd.s32 $0xFFFFFF80  }
0xbf: {  	_ =	swait.ge [sflag:s12], $0x80  }
0xc0: {  	[sflag:s12] =	ssyncset.done $0x0  }
0xc1: {  	[sflag:s12] =	ssyncadd.s32 $0xFFFFFF80  }
0xc2: {  	_ =	swait.ge [sflag:s12], $0x80  }
0xc3: {  	[sflag:s12] =	ssyncset.done $0x0  }
0xc4: {  	[sflag:s12] =	ssyncadd.s32 $0xFFFFFF80  }
0xc5: {  	_ =	swait.ge [sflag:s12], $0x80  }
0xc6: {  	[sflag:s12] =	ssyncset.done $0x0  }
0xc7: {  	[sflag:s12] =	ssyncadd.s32 $0xFFFFFF80  }
0xc8: {  	_ =	swait.ge [sflag:s12], $0x80  }
0xc9: {  	s17 =	sadd.s32 $0x1, s17;
	[sflag:s12] =	ssyncset.done $0x0  }
0xca: {  	p0 =	sne.s32 s17, s7;
	[sflag:s12] =	ssyncadd.s32 $0xFFFFFF80  }
.Ltmp2:
0xcb: {  	[bflag:$0x0] =	sbarrier.arrive $0xFFFF;
	(pc) =	sbr.rel @p0 .LBB2_1-.Ltmp2, $4  }
0xcc: {  	[hbm:s6@s15], [sflag:s13] =	dma.strided [spmem:s14@s16], $0x50, s12, $0x10   }
0xcd: {  	_ =	swait.ge [sflag:s9], $0x50  }
0xce: {  	[sflag:s9] =	ssyncset.done $0x0  }
0xcf: {  	[sflag:s9] =	ssyncadd.s32 $0xFFFFFFB0  }
0xd0: {  	_ =	sfence.sel $0x180000  }
0xd1: {  	[bflag:$0x0] =	sbarrier.arrive $0xFFFF  }
0xd2: {  	p0 =	sne.s32 s2, $0x0;
	_ =	strace $0x90000047  }
0xd3: {  	s0 =	sadd.s32 @!p0 $0x100000, s0;
	[bflag:$0x2] =	sbarrier.arrive $0xFFFF  }
0xd4: {  	[sflag:s0] =	ssyncadd.tile.s32 @!p0 $0x1;
	_ =	shalt  }
.Lfunc_end2:
_tile_overlayer_lowered:
.L_overlay_start_2:
0xd5: {  	(tag) =	ssettag $0x2  }
0xd6: {  	s0 =	rddreg [dreg:$0x0];
	s2 =	stileid.u32  }
0xd7: {  	s1 =	rddreg [dreg:$0x1];
	p0 =	sne.s32 s2, $0x0  }
0xd8: {  	s3 =	rddreg [dreg:$0x2];
	[bflag:$0x3] =	sbarrier.arrive $0xFFFF;
	s2 =	simm.s32 @!p0 $0x1C02  }
0xd9: {  	[timem:s3], [sflag:s2] =	dma.local @!p0 [hbm:s0], s1  }
0xda: {  	s0 =	simm.s32 @!p0 $0x2  }
0xdb: {  	_ =	swait.ge @!p0 [sflag:s0], s1  }
0xdc: {  	s1 =	ssub.s32 @!p0 $0x0, s1;
	[sflag:s0] =	ssyncset.done @!p0 $0x0  }
0xdd: {  	[sflag:s0] =	ssyncadd.s32 @!p0 s1  }
0xde: {  	[bflag:$0x3] =	sbarrier.arrive $0xFFFF  }
0xdf: {  	_ =	shalt  }

</sc_bundles>
